<compile_context>
chip_gen: v7x
topology: tpu7x:2x2x1
jax: 0.10.2.dev20260603
libtpu: 0.0.44.dev20260713+nightly
codegen_flags: <defaults>
</compile_context>

<pallas_src>
import functools

import jax
import jax.numpy as jnp
from jax import lax
from jax.experimental import pallas as pl
from jax.experimental.pallas import tpu as pltpu
from jax.experimental.pallas import tpu_sc as plsc

B = 16384
NF = 21
V = 100000
EMB = 16
XW = 22
COLS = NF * EMB

NC = 2
NS = 16
NW = NC * NS
LANES = 16
QB = B // 4


def _sc_body(xt_hbm, tt_hbm, gt_hbm, idxb, tvec, gbuf, semw0, semw1):
    semw = (semw0, semw1)
    wid = lax.axis_index("s") * NC + lax.axis_index("c")
    sw = 10 * wid + jnp.minimum(wid, 16)
    ncol = jnp.where(wid < 16, 11, 10)

    @pl.loop(0, ncol, init_carry=jnp.int32(-1))
    def _(k, fprev):
        col = sw + k
        f = col // EMB
        e = col - f * EMB

        @pl.when(f != fprev)
        def _():
            pltpu.sync_copy(xt_hbm.at[f], idxb)

        pltpu.sync_copy(tt_hbm.at[f, e], tvec)
        for q in range(4):
            t = q % 2
            if q >= 2:
                pltpu.make_async_copy(
                    gbuf.at[t], gt_hbm.at[col, pl.ds((q - 2) * QB, QB)],
                    semw[t]).wait()

            @plsc.parallel_loop(0, QB // LANES, unroll=16)
            def _(kk):
                iv = idxb[pl.ds(q * QB + kk * LANES, LANES)]
                gbuf[t, pl.ds(kk * LANES, LANES)] = plsc.load_gather(
                    tvec, [iv])
            pltpu.async_copy(gbuf.at[t], gt_hbm.at[col, pl.ds(q * QB, QB)],
                             semw[t])
        for q in (2, 3):
            pltpu.make_async_copy(
                gbuf.at[q % 2], gt_hbm.at[col, pl.ds(q * QB, QB)],
                semw[q % 2]).wait()
        return f


_sc_gather = functools.partial(
    pl.kernel,
    out_type=jax.ShapeDtypeStruct((COLS, B), jnp.float32),
    mesh=plsc.VectorSubcoreMesh(core_axis_name="c", subcore_axis_name="s",
                                num_cores=NC, num_subcores=NS),
    scratch_types=[
        pltpu.VMEM((B,), jnp.int32),
        pltpu.VMEM((V,), jnp.float32),
        pltpu.VMEM((2, QB), jnp.float32),
        pltpu.SemaphoreType.DMA,
        pltpu.SemaphoreType.DMA,
    ],
    compiler_params=pltpu.CompilerParams(use_tc_tiling_on_sc=True,
                                         needs_layout_passes=False),
)(_sc_body)


BBLK = 4096


def _tc_body(g_ref, x_ref, wc_ref, bc_ref, w_ref, b_ref, o_ref):
    cont = x_ref[NF:NF + 1, :].astype(jnp.float32)
    pc = wc_ref[...] * cont + bc_ref[...]
    pc = jnp.where(pc >= 0, pc, 0.01 * pc)
    acc = jnp.dot(w_ref[:, 0:COLS], g_ref[...],
                  preferred_element_type=jnp.float32)
    acc = acc + jnp.dot(w_ref[:, COLS:], pc,
                        preferred_element_type=jnp.float32)
    acc = acc + b_ref[...]
    o_ref[...] = jnp.where(acc >= 0, acc, 0.01 * acc)


def _tc_head(gt, xt, wct, bc, wt, b):
    grid = (B // BBLK,)
    return pl.pallas_call(
        _tc_body,
        grid=grid,
        in_specs=[
            pl.BlockSpec((COLS, BBLK), lambda j: (0, j)),
            pl.BlockSpec((XW, BBLK), lambda j: (0, j)),
            pl.BlockSpec((8, 1), lambda j: (0, 0)),
            pl.BlockSpec((8, 1), lambda j: (0, 0)),
            pl.BlockSpec((32, COLS + 8), lambda j: (0, 0)),
            pl.BlockSpec((32, 1), lambda j: (0, 0)),
        ],
        out_specs=pl.BlockSpec((32, BBLK), lambda j: (0, j)),
        out_shape=jax.ShapeDtypeStruct((32, B), jnp.float32),
    )(gt, xt, wct, bc, wt, b)


def kernel(x, tables, Wc, bc, W, b):
    xt = x.T
    tt = jnp.transpose(tables, (0, 2, 1))
    gt = _sc_gather(xt, tt)
    outt = _tc_head(gt, xt, Wc.T, bc.reshape(8, 1), W.T, b.reshape(32, 1))
    return outt.T

# --- scband reference (transcript-rebuilt; emitter-appended) ---
"""Pipeline reference for scband-metadata-encoder-41858751266986 (READ-ONLY COPY).

The authoritative reference and input builder live on the scoring server;
editing this copy changes nothing except your own understanding.
"""

import jax, jax.numpy as jnp
import numpy as np

B = 16384
N_FIELDS = 21
VOCAB = 100000
EMB = 16
FC_IN = N_FIELDS * EMB + 8  # 344

def leaky_relu(v):
    return jnp.where(v >= 0, v, 0.01 * v)

def setup_inputs(seed: int = 0) -> dict:
    key = jax.random.key(seed)
    ks = jax.random.split(key, 8)
    x = jax.random.randint(ks[0], (B, 22), 0, VOCAB, dtype=jnp.int32)
    # 21 embedding tables of identical shape, stacked: [21, VOCAB, EMB]
    tables = jax.random.normal(ks[1], (N_FIELDS, VOCAB, EMB), dtype=jnp.float32) * 0.02
    # fc_c: Linear(1, 8) stored as [in, out]
    Wc = jax.random.normal(ks[2], (1, 8), dtype=jnp.float32) * 0.1
    bc = jnp.zeros((8,), dtype=jnp.float32)
    # fc: Linear(344, 32) stored as [in, out]
    W = jax.random.normal(ks[3], (FC_IN, 32), dtype=jnp.float32) * 0.05
    b = jnp.zeros((32,), dtype=jnp.float32)
    return {"x": x, "tables": tables, "Wc": Wc, "bc": bc, "W": W, "b": b}

def reference(x, tables, Wc, bc, W, b):
    # 21 embedding lookups (one per categorical column)
    embs = [tables[i][x[:, i]] for i in range(N_FIELDS)]
    concatenated = jnp.concatenate(embs, axis=1)  # [B, 21*16]
    # continuous feature is column 21
    cont = x[:, 21:22].astype(jnp.float32)  # [B, 1]
    pc = leaky_relu(cont @ Wc + bc)  # [B, 8]
    combined = jnp.concatenate([concatenated, pc], axis=1)  # [B, 344]
    out = leaky_relu(combined @ W + b)  # [B, 32]
    return out

if __name__ == "__main__":
    import jax
    _d = setup_inputs()
    print(jax.jit(kernel)(*tuple(_d.values())))

</pallas_src>

<mosaic_0001>
#map = affine_map<(d0, d1) -> (0, 0)>
#map1 = affine_map<(d0, d1) -> (0, 0, 0)>
module attributes {stable_mosaic.version = 14 : i64} {
  func.func @_sc_body(%arg0: i32, %arg1: i32, %arg2: memref<22x16384xi32, #tpu.memory_space<hbm>>, %arg3: memref<21x16x100000xf32, #tpu.memory_space<hbm>>, %arg4: memref<336x16384xf32, #tpu.memory_space<hbm>>, %arg5: memref<16384xi32, #tpu.memory_space<vmem>>, %arg6: memref<100000xf32, #tpu.memory_space<vmem>>, %arg7: memref<2x4096xf32, #tpu.memory_space<vmem>>, %arg8: memref<!tpu.dma_semaphore, #tpu.memory_space<semaphore_mem>>, %arg9: memref<!tpu.dma_semaphore, #tpu.memory_space<semaphore_mem>>) attributes {dimension_semantics = [#tpu.dimension_semantics<core_parallel>, #tpu.dimension_semantics<subcore_parallel>], iteration_bounds = array<i64: 2, 16>, scalar_prefetch = 0 : i64, scratch_operands = 5 : i64, tpu.core_type = #tpu.core_type<sc_vector_subcore>, window_params = [{transform_indices = #map}, {transform_indices = #map1}, {transform_indices = #map}]} {
    %mul3A = arith.constant 2 : i32
    %mul3A_0 = arith.muli %arg1, %mul3A : i32
    %add3A = arith.addi %mul3A_0, %arg0 : i32
    %mul3A_1 = arith.constant 10 : i32
    %mul3A_2 = arith.muli %mul3A_1, %add3A : i32
    %min3A = arith.constant 16 : i32
    %min3A_3 = arith.minsi %add3A, %min3A : i32
    %add3A_4 = arith.addi %mul3A_2, %min3A_3 : i32
    %lt3A = arith.constant 16 : i32
    %lt3A_5 = arith.cmpi slt, %add3A, %lt3A : i32
    %jit3A = arith.constant 11 : i32
    %jit3A_6 = arith.constant 10 : i32
    %select_n3A = arith.select %lt3A_5, %jit3A, %jit3A_6 : i32
    %sub3A = arith.constant 0 : i32
    %sub3A_7 = arith.subi %select_n3A, %sub3A : i32
    %sub3A_8 = arith.constant 1 : i32
    %sub3A_9 = arith.constant 1 : i32
    %sub3A_10 = arith.subi %sub3A_8, %sub3A_9 : i32
    %add3A_11 = arith.addi %sub3A_7, %sub3A_10 : i32
    %div3A = arith.constant 1 : i32
    %div3A_12 = arith.divsi %add3A_11, %div3A : i32
    %while3A = arith.constant 1 : i32
    %while3A_13 = arith.constant 0 : i32
    %while3A_14 = arith.constant 0 : i32
    %while3A_15 = arith.constant -1 : i32
    %while3A_16 = arith.subi %div3A_12, %while3A_14 : i32
    %while3A_17 = arith.addi %while3A_14, %while3A_16 : i32
    %while3A_18 = arith.constant 1 : i32
    %while3A_19 = arith.divsi %while3A_16, %while3A_18 : i32
    %while3A_20 = arith.muli %while3A_19, %while3A_18 : i32
    %while3A_21 = arith.addi %while3A_14, %while3A_20 : i32
    %while3A_22 = arith.constant 1 : i32
    %while3A_23 = scf.for %while3A_26 = %while3A_14 to %while3A_21 step %while3A_22 iter_args(%while3A_27 = %while3A_15) -> (i32)  : i32 {
      %mul3A_28 = arith.muli %while3A_26, %while3A : i32
      %add3A_29 = arith.addi %while3A_13, %mul3A_28 : i32
      %add3A_30 = arith.addi %add3A_4, %add3A_29 : i32
      %jit3A_31 = arith.constant 16 : i32
      %div3A_32 = arith.divsi %add3A_30, %jit3A_31 : i32
      %sign3A = arith.constant 0 : i32
      %sign3A_33 = arith.cmpi sgt, %add3A_30, %sign3A : i32
      %sign3A_34 = arith.extui %sign3A_33 : i1 to i32
      %sign3A_35 = arith.constant 0 : i32
      %sign3A_36 = arith.cmpi slt, %add3A_30, %sign3A_35 : i32
      %sign3A_37 = arith.extui %sign3A_36 : i1 to i32
      %sign3A_38 = arith.subi %sign3A_34, %sign3A_37 : i32
      %sign3A_39 = arith.constant 0 : i32
      %sign3A_40 = arith.cmpi sgt, %jit3A_31, %sign3A_39 : i32
      %sign3A_41 = arith.extui %sign3A_40 : i1 to i32
      %sign3A_42 = arith.constant 0 : i32
      %sign3A_43 = arith.cmpi slt, %jit3A_31, %sign3A_42 : i32
      %sign3A_44 = arith.extui %sign3A_43 : i1 to i32
      %sign3A_45 = arith.subi %sign3A_41, %sign3A_44 : i32
      %ne3A = arith.cmpi ne, %sign3A_38, %sign3A_45 : i32
      %rem3A = arith.remsi %add3A_30, %jit3A_31 : i32
      %ne3A_46 = arith.constant 0 : i32
      %ne3A_47 = arith.cmpi ne, %rem3A, %ne3A_46 : i32
      %and3A = arith.andi %ne3A, %ne3A_47 : i1
      %sub3A_48 = arith.constant 1 : i32
      %sub3A_49 = arith.subi %div3A_32, %sub3A_48 : i32
      %select_n3A_50 = arith.select %and3A, %sub3A_49, %div3A_32 : i32
      %mul3A_51 = arith.constant 16 : i32
      %mul3A_52 = arith.muli %select_n3A_50, %mul3A_51 : i32
      %sub3A_53 = arith.subi %add3A_30, %mul3A_52 : i32
      %ne3A_54 = arith.cmpi ne, %select_n3A_50, %while3A_27 : i32
      %convert_element_type3A = arith.extui %ne3A_54 : i1 to i32
      %cond3A = arith.constant 0 : i32
      %cond3A_55 = arith.cmpi ne, %convert_element_type3A, %cond3A : i32
      scf.if %cond3A_55 {
        "tpu.region"() ({
          %run_scoped3A = tpu.sem_alloc : memref<!tpu.dma_semaphore, #tpu.memory_space<semaphore_mem>>
          %dma_start3A_169 = arith.constant 0 : i32
          %dma_start3A_170 = tpu.memref_slice %arg2[%select_n3A_50, %dma_start3A_169] : memref<22x16384xi32, #tpu.memory_space<hbm>> -> memref<1x16384xi32, #tpu.memory_space<hbm>>
          %dma_start3A_171 = tpu.memref_squeeze %dma_start3A_170 : memref<1x16384xi32, #tpu.memory_space<hbm>> -> memref<16384xi32, #tpu.memory_space<hbm>>
          %dma_start3A_172 = arith.constant 0 : i32
          %dma_start3A_173 = tpu.memref_slice %arg2[%select_n3A_50, %dma_start3A_172] : memref<22x16384xi32, #tpu.memory_space<hbm>> -> memref<1x16384xi32, #tpu.memory_space<hbm>>
          %dma_start3A_174 = tpu.memref_squeeze %dma_start3A_173 : memref<1x16384xi32, #tpu.memory_space<hbm>> -> memref<16384xi32, #tpu.memory_space<hbm>>
          tpu.enqueue_dma source(%dma_start3A_174 : memref<16384xi32, #tpu.memory_space<hbm>>) target(%arg5 : memref<16384xi32, #tpu.memory_space<vmem>>) target_semaphore(%run_scoped3A : memref<!tpu.dma_semaphore, #tpu.memory_space<semaphore_mem>>)
          %dma_wait3A_175 = arith.constant 0 : i32
          %dma_wait3A_176 = tpu.memref_slice %arg2[%select_n3A_50, %dma_wait3A_175] : memref<22x16384xi32, #tpu.memory_space<hbm>> -> memref<1x16384xi32, #tpu.memory_space<hbm>>
          %dma_wait3A_177 = tpu.memref_squeeze %dma_wait3A_176 : memref<1x16384xi32, #tpu.memory_space<hbm>> -> memref<16384xi32, #tpu.memory_space<hbm>>
          %dma_wait3A_178 = arith.constant 0 : i32
          %dma_wait3A_179 = tpu.memref_slice %arg2[%select_n3A_50, %dma_wait3A_178] : memref<22x16384xi32, #tpu.memory_space<hbm>> -> memref<1x16384xi32, #tpu.memory_space<hbm>>
          %dma_wait3A_180 = tpu.memref_squeeze %dma_wait3A_179 : memref<1x16384xi32, #tpu.memory_space<hbm>> -> memref<16384xi32, #tpu.memory_space<hbm>>
          tpu.wait_dma2 semaphore(%run_scoped3A : memref<!tpu.dma_semaphore, #tpu.memory_space<semaphore_mem>>) src(%dma_wait3A_180 : memref<16384xi32, #tpu.memory_space<hbm>>) dst(%arg5 : memref<16384xi32, #tpu.memory_space<vmem>>)
          tpu.yield
        }) : () -> ()
      } else {
      }
      "tpu.region"() ({
        %run_scoped3A = tpu.sem_alloc : memref<!tpu.dma_semaphore, #tpu.memory_space<semaphore_mem>>
        %dma_start3A_169 = arith.constant 0 : i32
        %dma_start3A_170 = tpu.memref_slice %arg3[%select_n3A_50, %sub3A_53, %dma_start3A_169] : memref<21x16x100000xf32, #tpu.memory_space<hbm>> -> memref<1x1x100000xf32, #tpu.memory_space<hbm>>
        %dma_start3A_171 = tpu.memref_squeeze %dma_start3A_170 : memref<1x1x100000xf32, #tpu.memory_space<hbm>> -> memref<100000xf32, #tpu.memory_space<hbm>>
        %dma_start3A_172 = arith.constant 0 : i32
        %dma_start3A_173 = tpu.memref_slice %arg3[%select_n3A_50, %sub3A_53, %dma_start3A_172] : memref<21x16x100000xf32, #tpu.memory_space<hbm>> -> memref<1x1x100000xf32, #tpu.memory_space<hbm>>
        %dma_start3A_174 = tpu.memref_squeeze %dma_start3A_173 : memref<1x1x100000xf32, #tpu.memory_space<hbm>> -> memref<100000xf32, #tpu.memory_space<hbm>>
        tpu.enqueue_dma source(%dma_start3A_174 : memref<100000xf32, #tpu.memory_space<hbm>>) target(%arg6 : memref<100000xf32, #tpu.memory_space<vmem>>) target_semaphore(%run_scoped3A : memref<!tpu.dma_semaphore, #tpu.memory_space<semaphore_mem>>)
        %dma_wait3A_175 = arith.constant 0 : i32
        %dma_wait3A_176 = tpu.memref_slice %arg3[%select_n3A_50, %sub3A_53, %dma_wait3A_175] : memref<21x16x100000xf32, #tpu.memory_space<hbm>> -> memref<1x1x100000xf32, #tpu.memory_space<hbm>>
        %dma_wait3A_177 = tpu.memref_squeeze %dma_wait3A_176 : memref<1x1x100000xf32, #tpu.memory_space<hbm>> -> memref<100000xf32, #tpu.memory_space<hbm>>
        %dma_wait3A_178 = arith.constant 0 : i32
        %dma_wait3A_179 = tpu.memref_slice %arg3[%select_n3A_50, %sub3A_53, %dma_wait3A_178] : memref<21x16x100000xf32, #tpu.memory_space<hbm>> -> memref<1x1x100000xf32, #tpu.memory_space<hbm>>
        %dma_wait3A_180 = tpu.memref_squeeze %dma_wait3A_179 : memref<1x1x100000xf32, #tpu.memory_space<hbm>> -> memref<100000xf32, #tpu.memory_space<hbm>>
        tpu.wait_dma2 semaphore(%run_scoped3A : memref<!tpu.dma_semaphore, #tpu.memory_space<semaphore_mem>>) src(%dma_wait3A_180 : memref<100000xf32, #tpu.memory_space<hbm>>) dst(%arg6 : memref<100000xf32, #tpu.memory_space<vmem>>)
        tpu.yield
      }) : () -> ()
      %parallel_loop3A = arith.constant 0 : i32
      %parallel_loop3A_56 = arith.constant 256 : i32
      %parallel_loop3A_57 = arith.constant 1 : i32
      scf.for %parallel_loop3A_169 = %parallel_loop3A to %parallel_loop3A_56 step %parallel_loop3A_57  : i32 {
        %parallel_loop3A_170 = arith.constant 16 : i32
        %parallel_loop3A_171 = arith.muli %parallel_loop3A_169, %parallel_loop3A_170 : i32
        %parallel_loop3A_172 = arith.constant 0 : i32
        %parallel_loop3A_173 = arith.addi %parallel_loop3A_172, %parallel_loop3A_171 : i32
        %parallel_loop3A_174 = arith.index_cast %parallel_loop3A_173 : i32 to index
        %parallel_loop3A_175 = tpu.vector_load %arg5[%parallel_loop3A_174] {strides = array<i32>} : memref<16384xi32, #tpu.memory_space<vmem>>, vector<16xi32>,
        %parallel_loop3A_176 = tpu.vector_load_idx %arg6[%parallel_loop3A_175] : memref<100000xf32, #tpu.memory_space<vmem>>[vector<16xi32>], vector<16xf32>,
        %parallel_loop3A_177 = arith.constant 16 : i32
        %parallel_loop3A_178 = arith.muli %parallel_loop3A_169, %parallel_loop3A_177 : i32
        %parallel_loop3A_179 = arith.constant 0 : i32
        %parallel_loop3A_180 = arith.index_cast %parallel_loop3A_179 : i32 to index
        %parallel_loop3A_181 = arith.index_cast %parallel_loop3A_178 : i32 to index
        %parallel_loop3A_182 = tpu.vector_load %arg7[%parallel_loop3A_180, %parallel_loop3A_181] {strides = array<i32>} : memref<2x4096xf32, #tpu.memory_space<vmem>>, vector<16xf32>,
        tpu.vector_store %arg7[%parallel_loop3A_180, %parallel_loop3A_181], %parallel_loop3A_176 {strides = array<i32>} : memref<2x4096xf32, #tpu.memory_space<vmem>>, vector<16xf32>,
      } {sc.loop_unroll_factor = 16 : i64, sc.parallel_access}
      %dma_start3A = arith.constant 0 : i32
      %dma_start3A_58 = arith.constant 0 : i32
      %dma_start3A_59 = tpu.memref_slice %arg7[%dma_start3A, %dma_start3A_58] : memref<2x4096xf32, #tpu.memory_space<vmem>> -> memref<1x4096xf32, #tpu.memory_space<vmem>>
      %dma_start3A_60 = tpu.memref_squeeze %dma_start3A_59 : memref<1x4096xf32, #tpu.memory_space<vmem>> -> memref<4096xf32, #tpu.memory_space<vmem>>
      %dma_start3A_61 = arith.constant 0 : i32
      %dma_start3A_62 = tpu.memref_slice %arg4[%add3A_30, %dma_start3A_61] : memref<336x16384xf32, #tpu.memory_space<hbm>> -> memref<1x4096xf32, #tpu.memory_space<hbm>>
      %dma_start3A_63 = tpu.memref_squeeze %dma_start3A_62 : memref<1x4096xf32, #tpu.memory_space<hbm>> -> memref<4096xf32, #tpu.memory_space<hbm>>
      %dma_start3A_64 = arith.constant 0 : i32
      %dma_start3A_65 = tpu.memref_slice %arg4[%add3A_30, %dma_start3A_64] : memref<336x16384xf32, #tpu.memory_space<hbm>> -> memref<1x4096xf32, #tpu.memory_space<hbm>>
      %dma_start3A_66 = tpu.memref_squeeze %dma_start3A_65 : memref<1x4096xf32, #tpu.memory_space<hbm>> -> memref<4096xf32, #tpu.memory_space<hbm>>
      %dma_start3A_67 = arith.constant 0 : i32
      %dma_start3A_68 = tpu.memref_slice %arg7[%dma_start3A, %dma_start3A_67] : memref<2x4096xf32, #tpu.memory_space<vmem>> -> memref<1x4096xf32, #tpu.memory_space<vmem>>
      %dma_start3A_69 = tpu.memref_squeeze %dma_start3A_68 : memref<1x4096xf32, #tpu.memory_space<vmem>> -> memref<4096xf32, #tpu.memory_space<vmem>>
      tpu.enqueue_dma source(%dma_start3A_69 : memref<4096xf32, #tpu.memory_space<vmem>>) target(%dma_start3A_66 : memref<4096xf32, #tpu.memory_space<hbm>>) target_semaphore(%arg8 : memref<!tpu.dma_semaphore, #tpu.memory_space<semaphore_mem>>)
      %parallel_loop3A_70 = arith.constant 0 : i32
      %parallel_loop3A_71 = arith.constant 256 : i32
      %parallel_loop3A_72 = arith.constant 1 : i32
      scf.for %parallel_loop3A_169 = %parallel_loop3A_70 to %parallel_loop3A_71 step %parallel_loop3A_72  : i32 {
        %parallel_loop3A_170 = arith.constant 16 : i32
        %parallel_loop3A_171 = arith.muli %parallel_loop3A_169, %parallel_loop3A_170 : i32
        %parallel_loop3A_172 = arith.constant 4096 : i32
        %parallel_loop3A_173 = arith.addi %parallel_loop3A_172, %parallel_loop3A_171 : i32
        %parallel_loop3A_174 = arith.index_cast %parallel_loop3A_173 : i32 to index
        %parallel_loop3A_175 = tpu.vector_load %arg5[%parallel_loop3A_174] {strides = array<i32>} : memref<16384xi32, #tpu.memory_space<vmem>>, vector<16xi32>,
        %parallel_loop3A_176 = tpu.vector_load_idx %arg6[%parallel_loop3A_175] : memref<100000xf32, #tpu.memory_space<vmem>>[vector<16xi32>], vector<16xf32>,
        %parallel_loop3A_177 = arith.constant 16 : i32
        %parallel_loop3A_178 = arith.muli %parallel_loop3A_169, %parallel_loop3A_177 : i32
        %parallel_loop3A_179 = arith.constant 1 : i32
        %parallel_loop3A_180 = arith.index_cast %parallel_loop3A_179 : i32 to index
        %parallel_loop3A_181 = arith.index_cast %parallel_loop3A_178 : i32 to index
        %parallel_loop3A_182 = tpu.vector_load %arg7[%parallel_loop3A_180, %parallel_loop3A_181] {strides = array<i32>} : memref<2x4096xf32, #tpu.memory_space<vmem>>, vector<16xf32>,
        tpu.vector_store %arg7[%parallel_loop3A_180, %parallel_loop3A_181], %parallel_loop3A_176 {strides = array<i32>} : memref<2x4096xf32, #tpu.memory_space<vmem>>, vector<16xf32>,
      } {sc.loop_unroll_factor = 16 : i64, sc.parallel_access}
      %dma_start3A_73 = arith.constant 1 : i32
      %dma_start3A_74 = arith.constant 0 : i32
      %dma_start3A_75 = tpu.memref_slice %arg7[%dma_start3A_73, %dma_start3A_74] : memref<2x4096xf32, #tpu.memory_space<vmem>> -> memref<1x4096xf32, #tpu.memory_space<vmem>>
      %dma_start3A_76 = tpu.memref_squeeze %dma_start3A_75 : memref<1x4096xf32, #tpu.memory_space<vmem>> -> memref<4096xf32, #tpu.memory_space<vmem>>
      %dma_start3A_77 = arith.constant 4096 : i32
      %dma_start3A_78 = tpu.memref_slice %arg4[%add3A_30, %dma_start3A_77] : memref<336x16384xf32, #tpu.memory_space<hbm>> -> memref<1x4096xf32, #tpu.memory_space<hbm>>
      %dma_start3A_79 = tpu.memref_squeeze %dma_start3A_78 : memref<1x4096xf32, #tpu.memory_space<hbm>> -> memref<4096xf32, #tpu.memory_space<hbm>>
      %dma_start3A_80 = arith.constant 4096 : i32
      %dma_start3A_81 = tpu.memref_slice %arg4[%add3A_30, %dma_start3A_80] : memref<336x16384xf32, #tpu.memory_space<hbm>> -> memref<1x4096xf32, #tpu.memory_space<hbm>>
      %dma_start3A_82 = tpu.memref_squeeze %dma_start3A_81 : memref<1x4096xf32, #tpu.memory_space<hbm>> -> memref<4096xf32, #tpu.memory_space<hbm>>
      %dma_start3A_83 = arith.constant 0 : i32
      %dma_start3A_84 = tpu.memref_slice %arg7[%dma_start3A_73, %dma_start3A_83] : memref<2x4096xf32, #tpu.memory_space<vmem>> -> memref<1x4096xf32, #tpu.memory_space<vmem>>
      %dma_start3A_85 = tpu.memref_squeeze %dma_start3A_84 : memref<1x4096xf32, #tpu.memory_space<vmem>> -> memref<4096xf32, #tpu.memory_space<vmem>>
      tpu.enqueue_dma source(%dma_start3A_85 : memref<4096xf32, #tpu.memory_space<vmem>>) target(%dma_start3A_82 : memref<4096xf32, #tpu.memory_space<hbm>>) target_semaphore(%arg9 : memref<!tpu.dma_semaphore, #tpu.memory_space<semaphore_mem>>)
      %dma_wait3A = arith.constant 0 : i32
      %dma_wait3A_86 = arith.constant 0 : i32
      %dma_wait3A_87 = tpu.memref_slice %arg7[%dma_wait3A, %dma_wait3A_86] : memref<2x4096xf32, #tpu.memory_space<vmem>> -> memref<1x4096xf32, #tpu.memory_space<vmem>>
      %dma_wait3A_88 = tpu.memref_squeeze %dma_wait3A_87 : memref<1x4096xf32, #tpu.memory_space<vmem>> -> memref<4096xf32, #tpu.memory_space<vmem>>
      %dma_wait3A_89 = arith.constant 0 : i32
      %dma_wait3A_90 = tpu.memref_slice %arg4[%add3A_30, %dma_wait3A_89] : memref<336x16384xf32, #tpu.memory_space<hbm>> -> memref<1x4096xf32, #tpu.memory_space<hbm>>
      %dma_wait3A_91 = tpu.memref_squeeze %dma_wait3A_90 : memref<1x4096xf32, #tpu.memory_space<hbm>> -> memref<4096xf32, #tpu.memory_space<hbm>>
      %dma_wait3A_92 = arith.constant 0 : i32
      %dma_wait3A_93 = tpu.memref_slice %arg4[%add3A_30, %dma_wait3A_92] : memref<336x16384xf32, #tpu.memory_space<hbm>> -> memref<1x4096xf32, #tpu.memory_space<hbm>>
      %dma_wait3A_94 = tpu.memref_squeeze %dma_wait3A_93 : memref<1x4096xf32, #tpu.memory_space<hbm>> -> memref<4096xf32, #tpu.memory_space<hbm>>
      %dma_wait3A_95 = arith.constant 0 : i32
      %dma_wait3A_96 = tpu.memref_slice %arg7[%dma_wait3A, %dma_wait3A_95] : memref<2x4096xf32, #tpu.memory_space<vmem>> -> memref<1x4096xf32, #tpu.memory_space<vmem>>
      %dma_wait3A_97 = tpu.memref_squeeze %dma_wait3A_96 : memref<1x4096xf32, #tpu.memory_space<vmem>> -> memref<4096xf32, #tpu.memory_space<vmem>>
      tpu.wait_dma2 semaphore(%arg8 : memref<!tpu.dma_semaphore, #tpu.memory_space<semaphore_mem>>) src(%dma_wait3A_97 : memref<4096xf32, #tpu.memory_space<vmem>>) dst(%dma_wait3A_94 : memref<4096xf32, #tpu.memory_space<hbm>>)
      %parallel_loop3A_98 = arith.constant 0 : i32
      %parallel_loop3A_99 = arith.constant 256 : i32
      %parallel_loop3A_100 = arith.constant 1 : i32
      scf.for %parallel_loop3A_169 = %parallel_loop3A_98 to %parallel_loop3A_99 step %parallel_loop3A_100  : i32 {
        %parallel_loop3A_170 = arith.constant 16 : i32
        %parallel_loop3A_171 = arith.muli %parallel_loop3A_169, %parallel_loop3A_170 : i32
        %parallel_loop3A_172 = arith.constant 8192 : i32
        %parallel_loop3A_173 = arith.addi %parallel_loop3A_172, %parallel_loop3A_171 : i32
        %parallel_loop3A_174 = arith.index_cast %parallel_loop3A_173 : i32 to index
        %parallel_loop3A_175 = tpu.vector_load %arg5[%parallel_loop3A_174] {strides = array<i32>} : memref<16384xi32, #tpu.memory_space<vmem>>, vector<16xi32>,
        %parallel_loop3A_176 = tpu.vector_load_idx %arg6[%parallel_loop3A_175] : memref<100000xf32, #tpu.memory_space<vmem>>[vector<16xi32>], vector<16xf32>,
        %parallel_loop3A_177 = arith.constant 16 : i32
        %parallel_loop3A_178 = arith.muli %parallel_loop3A_169, %parallel_loop3A_177 : i32
        %parallel_loop3A_179 = arith.constant 0 : i32
        %parallel_loop3A_180 = arith.index_cast %parallel_loop3A_179 : i32 to index
        %parallel_loop3A_181 = arith.index_cast %parallel_loop3A_178 : i32 to index
        %parallel_loop3A_182 = tpu.vector_load %arg7[%parallel_loop3A_180, %parallel_loop3A_181] {strides = array<i32>} : memref<2x4096xf32, #tpu.memory_space<vmem>>, vector<16xf32>,
        tpu.vector_store %arg7[%parallel_loop3A_180, %parallel_loop3A_181], %parallel_loop3A_176 {strides = array<i32>} : memref<2x4096xf32, #tpu.memory_space<vmem>>, vector<16xf32>,
      } {sc.loop_unroll_factor = 16 : i64, sc.parallel_access}
      %dma_start3A_101 = arith.constant 0 : i32
      %dma_start3A_102 = arith.constant 0 : i32
      %dma_start3A_103 = tpu.memref_slice %arg7[%dma_start3A_101, %dma_start3A_102] : memref<2x4096xf32, #tpu.memory_space<vmem>> -> memref<1x4096xf32, #tpu.memory_space<vmem>>
      %dma_start3A_104 = tpu.memref_squeeze %dma_start3A_103 : memref<1x4096xf32, #tpu.memory_space<vmem>> -> memref<4096xf32, #tpu.memory_space<vmem>>
      %dma_start3A_105 = arith.constant 8192 : i32
      %dma_start3A_106 = tpu.memref_slice %arg4[%add3A_30, %dma_start3A_105] : memref<336x16384xf32, #tpu.memory_space<hbm>> -> memref<1x4096xf32, #tpu.memory_space<hbm>>
      %dma_start3A_107 = tpu.memref_squeeze %dma_start3A_106 : memref<1x4096xf32, #tpu.memory_space<hbm>> -> memref<4096xf32, #tpu.memory_space<hbm>>
      %dma_start3A_108 = arith.constant 8192 : i32
      %dma_start3A_109 = tpu.memref_slice %arg4[%add3A_30, %dma_start3A_108] : memref<336x16384xf32, #tpu.memory_space<hbm>> -> memref<1x4096xf32, #tpu.memory_space<hbm>>
      %dma_start3A_110 = tpu.memref_squeeze %dma_start3A_109 : memref<1x4096xf32, #tpu.memory_space<hbm>> -> memref<4096xf32, #tpu.memory_space<hbm>>
      %dma_start3A_111 = arith.constant 0 : i32
      %dma_start3A_112 = tpu.memref_slice %arg7[%dma_start3A_101, %dma_start3A_111] : memref<2x4096xf32, #tpu.memory_space<vmem>> -> memref<1x4096xf32, #tpu.memory_space<vmem>>
      %dma_start3A_113 = tpu.memref_squeeze %dma_start3A_112 : memref<1x4096xf32, #tpu.memory_space<vmem>> -> memref<4096xf32, #tpu.memory_space<vmem>>
      tpu.enqueue_dma source(%dma_start3A_113 : memref<4096xf32, #tpu.memory_space<vmem>>) target(%dma_start3A_110 : memref<4096xf32, #tpu.memory_space<hbm>>) target_semaphore(%arg8 : memref<!tpu.dma_semaphore, #tpu.memory_space<semaphore_mem>>)
      %dma_wait3A_114 = arith.constant 1 : i32
      %dma_wait3A_115 = arith.constant 0 : i32
      %dma_wait3A_116 = tpu.memref_slice %arg7[%dma_wait3A_114, %dma_wait3A_115] : memref<2x4096xf32, #tpu.memory_space<vmem>> -> memref<1x4096xf32, #tpu.memory_space<vmem>>
      %dma_wait3A_117 = tpu.memref_squeeze %dma_wait3A_116 : memref<1x4096xf32, #tpu.memory_space<vmem>> -> memref<4096xf32, #tpu.memory_space<vmem>>
      %dma_wait3A_118 = arith.constant 4096 : i32
      %dma_wait3A_119 = tpu.memref_slice %arg4[%add3A_30, %dma_wait3A_118] : memref<336x16384xf32, #tpu.memory_space<hbm>> -> memref<1x4096xf32, #tpu.memory_space<hbm>>
      %dma_wait3A_120 = tpu.memref_squeeze %dma_wait3A_119 : memref<1x4096xf32, #tpu.memory_space<hbm>> -> memref<4096xf32, #tpu.memory_space<hbm>>
      %dma_wait3A_121 = arith.constant 4096 : i32
      %dma_wait3A_122 = tpu.memref_slice %arg4[%add3A_30, %dma_wait3A_121] : memref<336x16384xf32, #tpu.memory_space<hbm>> -> memref<1x4096xf32, #tpu.memory_space<hbm>>
      %dma_wait3A_123 = tpu.memref_squeeze %dma_wait3A_122 : memref<1x4096xf32, #tpu.memory_space<hbm>> -> memref<4096xf32, #tpu.memory_space<hbm>>
      %dma_wait3A_124 = arith.constant 0 : i32
      %dma_wait3A_125 = tpu.memref_slice %arg7[%dma_wait3A_114, %dma_wait3A_124] : memref<2x4096xf32, #tpu.memory_space<vmem>> -> memref<1x4096xf32, #tpu.memory_space<vmem>>
      %dma_wait3A_126 = tpu.memref_squeeze %dma_wait3A_125 : memref<1x4096xf32, #tpu.memory_space<vmem>> -> memref<4096xf32, #tpu.memory_space<vmem>>
      tpu.wait_dma2 semaphore(%arg9 : memref<!tpu.dma_semaphore, #tpu.memory_space<semaphore_mem>>) src(%dma_wait3A_126 : memref<4096xf32, #tpu.memory_space<vmem>>) dst(%dma_wait3A_123 : memref<4096xf32, #tpu.memory_space<hbm>>)
      %parallel_loop3A_127 = arith.constant 0 : i32
      %parallel_loop3A_128 = arith.constant 256 : i32
      %parallel_loop3A_129 = arith.constant 1 : i32
      scf.for %parallel_loop3A_169 = %parallel_loop3A_127 to %parallel_loop3A_128 step %parallel_loop3A_129  : i32 {
        %parallel_loop3A_170 = arith.constant 16 : i32
        %parallel_loop3A_171 = arith.muli %parallel_loop3A_169, %parallel_loop3A_170 : i32
        %parallel_loop3A_172 = arith.constant 12288 : i32
        %parallel_loop3A_173 = arith.addi %parallel_loop3A_172, %parallel_loop3A_171 : i32
        %parallel_loop3A_174 = arith.index_cast %parallel_loop3A_173 : i32 to index
        %parallel_loop3A_175 = tpu.vector_load %arg5[%parallel_loop3A_174] {strides = array<i32>} : memref<16384xi32, #tpu.memory_space<vmem>>, vector<16xi32>,
        %parallel_loop3A_176 = tpu.vector_load_idx %arg6[%parallel_loop3A_175] : memref<100000xf32, #tpu.memory_space<vmem>>[vector<16xi32>], vector<16xf32>,
        %parallel_loop3A_177 = arith.constant 16 : i32
        %parallel_loop3A_178 = arith.muli %parallel_loop3A_169, %parallel_loop3A_177 : i32
        %parallel_loop3A_179 = arith.constant 1 : i32
        %parallel_loop3A_180 = arith.index_cast %parallel_loop3A_179 : i32 to index
        %parallel_loop3A_181 = arith.index_cast %parallel_loop3A_178 : i32 to index
        %parallel_loop3A_182 = tpu.vector_load %arg7[%parallel_loop3A_180, %parallel_loop3A_181] {strides = array<i32>} : memref<2x4096xf32, #tpu.memory_space<vmem>>, vector<16xf32>,
        tpu.vector_store %arg7[%parallel_loop3A_180, %parallel_loop3A_181], %parallel_loop3A_176 {strides = array<i32>} : memref<2x4096xf32, #tpu.memory_space<vmem>>, vector<16xf32>,
      } {sc.loop_unroll_factor = 16 : i64, sc.parallel_access}
      %dma_start3A_130 = arith.constant 1 : i32
      %dma_start3A_131 = arith.constant 0 : i32
      %dma_start3A_132 = tpu.memref_slice %arg7[%dma_start3A_130, %dma_start3A_131] : memref<2x4096xf32, #tpu.memory_space<vmem>> -> memref<1x4096xf32, #tpu.memory_space<vmem>>
      %dma_start3A_133 = tpu.memref_squeeze %dma_start3A_132 : memref<1x4096xf32, #tpu.memory_space<vmem>> -> memref<4096xf32, #tpu.memory_space<vmem>>
      %dma_start3A_134 = arith.constant 12288 : i32
      %dma_start3A_135 = tpu.memref_slice %arg4[%add3A_30, %dma_start3A_134] : memref<336x16384xf32, #tpu.memory_space<hbm>> -> memref<1x4096xf32, #tpu.memory_space<hbm>>
      %dma_start3A_136 = tpu.memref_squeeze %dma_start3A_135 : memref<1x4096xf32, #tpu.memory_space<hbm>> -> memref<4096xf32, #tpu.memory_space<hbm>>
      %dma_start3A_137 = arith.constant 12288 : i32
      %dma_start3A_138 = tpu.memref_slice %arg4[%add3A_30, %dma_start3A_137] : memref<336x16384xf32, #tpu.memory_space<hbm>> -> memref<1x4096xf32, #tpu.memory_space<hbm>>
      %dma_start3A_139 = tpu.memref_squeeze %dma_start3A_138 : memref<1x4096xf32, #tpu.memory_space<hbm>> -> memref<4096xf32, #tpu.memory_space<hbm>>
      %dma_start3A_140 = arith.constant 0 : i32
      %dma_start3A_141 = tpu.memref_slice %arg7[%dma_start3A_130, %dma_start3A_140] : memref<2x4096xf32, #tpu.memory_space<vmem>> -> memref<1x4096xf32, #tpu.memory_space<vmem>>
      %dma_start3A_142 = tpu.memref_squeeze %dma_start3A_141 : memref<1x4096xf32, #tpu.memory_space<vmem>> -> memref<4096xf32, #tpu.memory_space<vmem>>
      tpu.enqueue_dma source(%dma_start3A_142 : memref<4096xf32, #tpu.memory_space<vmem>>) target(%dma_start3A_139 : memref<4096xf32, #tpu.memory_space<hbm>>) target_semaphore(%arg9 : memref<!tpu.dma_semaphore, #tpu.memory_space<semaphore_mem>>)
      %dma_wait3A_143 = arith.constant 0 : i32
      %dma_wait3A_144 = arith.constant 0 : i32
      %dma_wait3A_145 = tpu.memref_slice %arg7[%dma_wait3A_143, %dma_wait3A_144] : memref<2x4096xf32, #tpu.memory_space<vmem>> -> memref<1x4096xf32, #tpu.memory_space<vmem>>
      %dma_wait3A_146 = tpu.memref_squeeze %dma_wait3A_145 : memref<1x4096xf32, #tpu.memory_space<vmem>> -> memref<4096xf32, #tpu.memory_space<vmem>>
      %dma_wait3A_147 = arith.constant 8192 : i32
      %dma_wait3A_148 = tpu.memref_slice %arg4[%add3A_30, %dma_wait3A_147] : memref<336x16384xf32, #tpu.memory_space<hbm>> -> memref<1x4096xf32, #tpu.memory_space<hbm>>
      %dma_wait3A_149 = tpu.memref_squeeze %dma_wait3A_148 : memref<1x4096xf32, #tpu.memory_space<hbm>> -> memref<4096xf32, #tpu.memory_space<hbm>>
      %dma_wait3A_150 = arith.constant 8192 : i32
      %dma_wait3A_151 = tpu.memref_slice %arg4[%add3A_30, %dma_wait3A_150] : memref<336x16384xf32, #tpu.memory_space<hbm>> -> memref<1x4096xf32, #tpu.memory_space<hbm>>
      %dma_wait3A_152 = tpu.memref_squeeze %dma_wait3A_151 : memref<1x4096xf32, #tpu.memory_space<hbm>> -> memref<4096xf32, #tpu.memory_space<hbm>>
      %dma_wait3A_153 = arith.constant 0 : i32
      %dma_wait3A_154 = tpu.memref_slice %arg7[%dma_wait3A_143, %dma_wait3A_153] : memref<2x4096xf32, #tpu.memory_space<vmem>> -> memref<1x4096xf32, #tpu.memory_space<vmem>>
      %dma_wait3A_155 = tpu.memref_squeeze %dma_wait3A_154 : memref<1x4096xf32, #tpu.memory_space<vmem>> -> memref<4096xf32, #tpu.memory_space<vmem>>
      tpu.wait_dma2 semaphore(%arg8 : memref<!tpu.dma_semaphore, #tpu.memory_space<semaphore_mem>>) src(%dma_wait3A_155 : memref<4096xf32, #tpu.memory_space<vmem>>) dst(%dma_wait3A_152 : memref<4096xf32, #tpu.memory_space<hbm>>)
      %dma_wait3A_156 = arith.constant 1 : i32
      %dma_wait3A_157 = arith.constant 0 : i32
      %dma_wait3A_158 = tpu.memref_slice %arg7[%dma_wait3A_156, %dma_wait3A_157] : memref<2x4096xf32, #tpu.memory_space<vmem>> -> memref<1x4096xf32, #tpu.memory_space<vmem>>
      %dma_wait3A_159 = tpu.memref_squeeze %dma_wait3A_158 : memref<1x4096xf32, #tpu.memory_space<vmem>> -> memref<4096xf32, #tpu.memory_space<vmem>>
      %dma_wait3A_160 = arith.constant 12288 : i32
      %dma_wait3A_161 = tpu.memref_slice %arg4[%add3A_30, %dma_wait3A_160] : memref<336x16384xf32, #tpu.memory_space<hbm>> -> memref<1x4096xf32, #tpu.memory_space<hbm>>
      %dma_wait3A_162 = tpu.memref_squeeze %dma_wait3A_161 : memref<1x4096xf32, #tpu.memory_space<hbm>> -> memref<4096xf32, #tpu.memory_space<hbm>>
      %dma_wait3A_163 = arith.constant 12288 : i32
      %dma_wait3A_164 = tpu.memref_slice %arg4[%add3A_30, %dma_wait3A_163] : memref<336x16384xf32, #tpu.memory_space<hbm>> -> memref<1x4096xf32, #tpu.memory_space<hbm>>
      %dma_wait3A_165 = tpu.memref_squeeze %dma_wait3A_164 : memref<1x4096xf32, #tpu.memory_space<hbm>> -> memref<4096xf32, #tpu.memory_space<hbm>>
      %dma_wait3A_166 = arith.constant 0 : i32
      %dma_wait3A_167 = tpu.memref_slice %arg7[%dma_wait3A_156, %dma_wait3A_166] : memref<2x4096xf32, #tpu.memory_space<vmem>> -> memref<1x4096xf32, #tpu.memory_space<vmem>>
      %dma_wait3A_168 = tpu.memref_squeeze %dma_wait3A_167 : memref<1x4096xf32, #tpu.memory_space<vmem>> -> memref<4096xf32, #tpu.memory_space<vmem>>
      tpu.wait_dma2 semaphore(%arg9 : memref<!tpu.dma_semaphore, #tpu.memory_space<semaphore_mem>>) src(%dma_wait3A_168 : memref<4096xf32, #tpu.memory_space<vmem>>) dst(%dma_wait3A_165 : memref<4096xf32, #tpu.memory_space<hbm>>)
      scf.yield %select_n3A_50 : i32
    }
    %while3A_24 = arith.constant 1 : i32
    %while3A_25 = scf.for %while3A_26 = %while3A_21 to %while3A_17 step %while3A_24 iter_args(%while3A_27 = %while3A_23) -> (i32)  : i32 {
      %mul3A_28 = arith.muli %while3A_26, %while3A : i32
      %add3A_29 = arith.addi %while3A_13, %mul3A_28 : i32
      %add3A_30 = arith.addi %add3A_4, %add3A_29 : i32
      %jit3A_31 = arith.constant 16 : i32
      %div3A_32 = arith.divsi %add3A_30, %jit3A_31 : i32
      %sign3A = arith.constant 0 : i32
      %sign3A_33 = arith.cmpi sgt, %add3A_30, %sign3A : i32
      %sign3A_34 = arith.extui %sign3A_33 : i1 to i32
      %sign3A_35 = arith.constant 0 : i32
      %sign3A_36 = arith.cmpi slt, %add3A_30, %sign3A_35 : i32
      %sign3A_37 = arith.extui %sign3A_36 : i1 to i32
      %sign3A_38 = arith.subi %sign3A_34, %sign3A_37 : i32
      %sign3A_39 = arith.constant 0 : i32
      %sign3A_40 = arith.cmpi sgt, %jit3A_31, %sign3A_39 : i32
      %sign3A_41 = arith.extui %sign3A_40 : i1 to i32
      %sign3A_42 = arith.constant 0 : i32
      %sign3A_43 = arith.cmpi slt, %jit3A_31, %sign3A_42 : i32
      %sign3A_44 = arith.extui %sign3A_43 : i1 to i32
      %sign3A_45 = arith.subi %sign3A_41, %sign3A_44 : i32
      %ne3A = arith.cmpi ne, %sign3A_38, %sign3A_45 : i32
      %rem3A = arith.remsi %add3A_30, %jit3A_31 : i32
      %ne3A_46 = arith.constant 0 : i32
      %ne3A_47 = arith.cmpi ne, %rem3A, %ne3A_46 : i32
      %and3A = arith.andi %ne3A, %ne3A_47 : i1
      %sub3A_48 = arith.constant 1 : i32
      %sub3A_49 = arith.subi %div3A_32, %sub3A_48 : i32
      %select_n3A_50 = arith.select %and3A, %sub3A_49, %div3A_32 : i32
      %mul3A_51 = arith.constant 16 : i32
      %mul3A_52 = arith.muli %select_n3A_50, %mul3A_51 : i32
      %sub3A_53 = arith.subi %add3A_30, %mul3A_52 : i32
      %ne3A_54 = arith.cmpi ne, %select_n3A_50, %while3A_27 : i32
      %convert_element_type3A = arith.extui %ne3A_54 : i1 to i32
      %cond3A = arith.constant 0 : i32
      %cond3A_55 = arith.cmpi ne, %convert_element_type3A, %cond3A : i32
      scf.if %cond3A_55 {
        "tpu.region"() ({
          %run_scoped3A = tpu.sem_alloc : memref<!tpu.dma_semaphore, #tpu.memory_space<semaphore_mem>>
          %dma_start3A_169 = arith.constant 0 : i32
          %dma_start3A_170 = tpu.memref_slice %arg2[%select_n3A_50, %dma_start3A_169] : memref<22x16384xi32, #tpu.memory_space<hbm>> -> memref<1x16384xi32, #tpu.memory_space<hbm>>
          %dma_start3A_171 = tpu.memref_squeeze %dma_start3A_170 : memref<1x16384xi32, #tpu.memory_space<hbm>> -> memref<16384xi32, #tpu.memory_space<hbm>>
          %dma_start3A_172 = arith.constant 0 : i32
          %dma_start3A_173 = tpu.memref_slice %arg2[%select_n3A_50, %dma_start3A_172] : memref<22x16384xi32, #tpu.memory_space<hbm>> -> memref<1x16384xi32, #tpu.memory_space<hbm>>
          %dma_start3A_174 = tpu.memref_squeeze %dma_start3A_173 : memref<1x16384xi32, #tpu.memory_space<hbm>> -> memref<16384xi32, #tpu.memory_space<hbm>>
          tpu.enqueue_dma source(%dma_start3A_174 : memref<16384xi32, #tpu.memory_space<hbm>>) target(%arg5 : memref<16384xi32, #tpu.memory_space<vmem>>) target_semaphore(%run_scoped3A : memref<!tpu.dma_semaphore, #tpu.memory_space<semaphore_mem>>)
          %dma_wait3A_175 = arith.constant 0 : i32
          %dma_wait3A_176 = tpu.memref_slice %arg2[%select_n3A_50, %dma_wait3A_175] : memref<22x16384xi32, #tpu.memory_space<hbm>> -> memref<1x16384xi32, #tpu.memory_space<hbm>>
          %dma_wait3A_177 = tpu.memref_squeeze %dma_wait3A_176 : memref<1x16384xi32, #tpu.memory_space<hbm>> -> memref<16384xi32, #tpu.memory_space<hbm>>
          %dma_wait3A_178 = arith.constant 0 : i32
          %dma_wait3A_179 = tpu.memref_slice %arg2[%select_n3A_50, %dma_wait3A_178] : memref<22x16384xi32, #tpu.memory_space<hbm>> -> memref<1x16384xi32, #tpu.memory_space<hbm>>
          %dma_wait3A_180 = tpu.memref_squeeze %dma_wait3A_179 : memref<1x16384xi32, #tpu.memory_space<hbm>> -> memref<16384xi32, #tpu.memory_space<hbm>>
          tpu.wait_dma2 semaphore(%run_scoped3A : memref<!tpu.dma_semaphore, #tpu.memory_space<semaphore_mem>>) src(%dma_wait3A_180 : memref<16384xi32, #tpu.memory_space<hbm>>) dst(%arg5 : memref<16384xi32, #tpu.memory_space<vmem>>)
          tpu.yield
        }) : () -> ()
      } else {
      }
      "tpu.region"() ({
        %run_scoped3A = tpu.sem_alloc : memref<!tpu.dma_semaphore, #tpu.memory_space<semaphore_mem>>
        %dma_start3A_169 = arith.constant 0 : i32
        %dma_start3A_170 = tpu.memref_slice %arg3[%select_n3A_50, %sub3A_53, %dma_start3A_169] : memref<21x16x100000xf32, #tpu.memory_space<hbm>> -> memref<1x1x100000xf32, #tpu.memory_space<hbm>>
        %dma_start3A_171 = tpu.memref_squeeze %dma_start3A_170 : memref<1x1x100000xf32, #tpu.memory_space<hbm>> -> memref<100000xf32, #tpu.memory_space<hbm>>
        %dma_start3A_172 = arith.constant 0 : i32
        %dma_start3A_173 = tpu.memref_slice %arg3[%select_n3A_50, %sub3A_53, %dma_start3A_172] : memref<21x16x100000xf32, #tpu.memory_space<hbm>> -> memref<1x1x100000xf32, #tpu.memory_space<hbm>>
        %dma_start3A_174 = tpu.memref_squeeze %dma_start3A_173 : memref<1x1x100000xf32, #tpu.memory_space<hbm>> -> memref<100000xf32, #tpu.memory_space<hbm>>
        tpu.enqueue_dma source(%dma_start3A_174 : memref<100000xf32, #tpu.memory_space<hbm>>) target(%arg6 : memref<100000xf32, #tpu.memory_space<vmem>>) target_semaphore(%run_scoped3A : memref<!tpu.dma_semaphore, #tpu.memory_space<semaphore_mem>>)
        %dma_wait3A_175 = arith.constant 0 : i32
        %dma_wait3A_176 = tpu.memref_slice %arg3[%select_n3A_50, %sub3A_53, %dma_wait3A_175] : memref<21x16x100000xf32, #tpu.memory_space<hbm>> -> memref<1x1x100000xf32, #tpu.memory_space<hbm>>
        %dma_wait3A_177 = tpu.memref_squeeze %dma_wait3A_176 : memref<1x1x100000xf32, #tpu.memory_space<hbm>> -> memref<100000xf32, #tpu.memory_space<hbm>>
        %dma_wait3A_178 = arith.constant 0 : i32
        %dma_wait3A_179 = tpu.memref_slice %arg3[%select_n3A_50, %sub3A_53, %dma_wait3A_178] : memref<21x16x100000xf32, #tpu.memory_space<hbm>> -> memref<1x1x100000xf32, #tpu.memory_space<hbm>>
        %dma_wait3A_180 = tpu.memref_squeeze %dma_wait3A_179 : memref<1x1x100000xf32, #tpu.memory_space<hbm>> -> memref<100000xf32, #tpu.memory_space<hbm>>
        tpu.wait_dma2 semaphore(%run_scoped3A : memref<!tpu.dma_semaphore, #tpu.memory_space<semaphore_mem>>) src(%dma_wait3A_180 : memref<100000xf32, #tpu.memory_space<hbm>>) dst(%arg6 : memref<100000xf32, #tpu.memory_space<vmem>>)
        tpu.yield
      }) : () -> ()
      %parallel_loop3A = arith.constant 0 : i32
      %parallel_loop3A_56 = arith.constant 256 : i32
      %parallel_loop3A_57 = arith.constant 1 : i32
      scf.for %parallel_loop3A_169 = %parallel_loop3A to %parallel_loop3A_56 step %parallel_loop3A_57  : i32 {
        %parallel_loop3A_170 = arith.constant 16 : i32
        %parallel_loop3A_171 = arith.muli %parallel_loop3A_169, %parallel_loop3A_170 : i32
        %parallel_loop3A_172 = arith.constant 0 : i32
        %parallel_loop3A_173 = arith.addi %parallel_loop3A_172, %parallel_loop3A_171 : i32
        %parallel_loop3A_174 = arith.index_cast %parallel_loop3A_173 : i32 to index
        %parallel_loop3A_175 = tpu.vector_load %arg5[%parallel_loop3A_174] {strides = array<i32>} : memref<16384xi32, #tpu.memory_space<vmem>>, vector<16xi32>,
        %parallel_loop3A_176 = tpu.vector_load_idx %arg6[%parallel_loop3A_175] : memref<100000xf32, #tpu.memory_space<vmem>>[vector<16xi32>], vector<16xf32>,
        %parallel_loop3A_177 = arith.constant 16 : i32
        %parallel_loop3A_178 = arith.muli %parallel_loop3A_169, %parallel_loop3A_177 : i32
        %parallel_loop3A_179 = arith.constant 0 : i32
        %parallel_loop3A_180 = arith.index_cast %parallel_loop3A_179 : i32 to index
        %parallel_loop3A_181 = arith.index_cast %parallel_loop3A_178 : i32 to index
        %parallel_loop3A_182 = tpu.vector_load %arg7[%parallel_loop3A_180, %parallel_loop3A_181] {strides = array<i32>} : memref<2x4096xf32, #tpu.memory_space<vmem>>, vector<16xf32>,
        tpu.vector_store %arg7[%parallel_loop3A_180, %parallel_loop3A_181], %parallel_loop3A_176 {strides = array<i32>} : memref<2x4096xf32, #tpu.memory_space<vmem>>, vector<16xf32>,
      } {sc.loop_unroll_factor = 16 : i64, sc.parallel_access}
      %dma_start3A = arith.constant 0 : i32
      %dma_start3A_58 = arith.constant 0 : i32
      %dma_start3A_59 = tpu.memref_slice %arg7[%dma_start3A, %dma_start3A_58] : memref<2x4096xf32, #tpu.memory_space<vmem>> -> memref<1x4096xf32, #tpu.memory_space<vmem>>
      %dma_start3A_60 = tpu.memref_squeeze %dma_start3A_59 : memref<1x4096xf32, #tpu.memory_space<vmem>> -> memref<4096xf32, #tpu.memory_space<vmem>>
      %dma_start3A_61 = arith.constant 0 : i32
      %dma_start3A_62 = tpu.memref_slice %arg4[%add3A_30, %dma_start3A_61] : memref<336x16384xf32, #tpu.memory_space<hbm>> -> memref<1x4096xf32, #tpu.memory_space<hbm>>
      %dma_start3A_63 = tpu.memref_squeeze %dma_start3A_62 : memref<1x4096xf32, #tpu.memory_space<hbm>> -> memref<4096xf32, #tpu.memory_space<hbm>>
      %dma_start3A_64 = arith.constant 0 : i32
      %dma_start3A_65 = tpu.memref_slice %arg4[%add3A_30, %dma_start3A_64] : memref<336x16384xf32, #tpu.memory_space<hbm>> -> memref<1x4096xf32, #tpu.memory_space<hbm>>
      %dma_start3A_66 = tpu.memref_squeeze %dma_start3A_65 : memref<1x4096xf32, #tpu.memory_space<hbm>> -> memref<4096xf32, #tpu.memory_space<hbm>>
      %dma_start3A_67 = arith.constant 0 : i32
      %dma_start3A_68 = tpu.memref_slice %arg7[%dma_start3A, %dma_start3A_67] : memref<2x4096xf32, #tpu.memory_space<vmem>> -> memref<1x4096xf32, #tpu.memory_space<vmem>>
      %dma_start3A_69 = tpu.memref_squeeze %dma_start3A_68 : memref<1x4096xf32, #tpu.memory_space<vmem>> -> memref<4096xf32, #tpu.memory_space<vmem>>
      tpu.enqueue_dma source(%dma_start3A_69 : memref<4096xf32, #tpu.memory_space<vmem>>) target(%dma_start3A_66 : memref<4096xf32, #tpu.memory_space<hbm>>) target_semaphore(%arg8 : memref<!tpu.dma_semaphore, #tpu.memory_space<semaphore_mem>>)
      %parallel_loop3A_70 = arith.constant 0 : i32
      %parallel_loop3A_71 = arith.constant 256 : i32
      %parallel_loop3A_72 = arith.constant 1 : i32
      scf.for %parallel_loop3A_169 = %parallel_loop3A_70 to %parallel_loop3A_71 step %parallel_loop3A_72  : i32 {
        %parallel_loop3A_170 = arith.constant 16 : i32
        %parallel_loop3A_171 = arith.muli %parallel_loop3A_169, %parallel_loop3A_170 : i32
        %parallel_loop3A_172 = arith.constant 4096 : i32
        %parallel_loop3A_173 = arith.addi %parallel_loop3A_172, %parallel_loop3A_171 : i32
        %parallel_loop3A_174 = arith.index_cast %parallel_loop3A_173 : i32 to index
        %parallel_loop3A_175 = tpu.vector_load %arg5[%parallel_loop3A_174] {strides = array<i32>} : memref<16384xi32, #tpu.memory_space<vmem>>, vector<16xi32>,
        %parallel_loop3A_176 = tpu.vector_load_idx %arg6[%parallel_loop3A_175] : memref<100000xf32, #tpu.memory_space<vmem>>[vector<16xi32>], vector<16xf32>,
        %parallel_loop3A_177 = arith.constant 16 : i32
        %parallel_loop3A_178 = arith.muli %parallel_loop3A_169, %parallel_loop3A_177 : i32
        %parallel_loop3A_179 = arith.constant 1 : i32
        %parallel_loop3A_180 = arith.index_cast %parallel_loop3A_179 : i32 to index
        %parallel_loop3A_181 = arith.index_cast %parallel_loop3A_178 : i32 to index
        %parallel_loop3A_182 = tpu.vector_load %arg7[%parallel_loop3A_180, %parallel_loop3A_181] {strides = array<i32>} : memref<2x4096xf32, #tpu.memory_space<vmem>>, vector<16xf32>,
        tpu.vector_store %arg7[%parallel_loop3A_180, %parallel_loop3A_181], %parallel_loop3A_176 {strides = array<i32>} : memref<2x4096xf32, #tpu.memory_space<vmem>>, vector<16xf32>,
      } {sc.loop_unroll_factor = 16 : i64, sc.parallel_access}
      %dma_start3A_73 = arith.constant 1 : i32
      %dma_start3A_74 = arith.constant 0 : i32
      %dma_start3A_75 = tpu.memref_slice %arg7[%dma_start3A_73, %dma_start3A_74] : memref<2x4096xf32, #tpu.memory_space<vmem>> -> memref<1x4096xf32, #tpu.memory_space<vmem>>
      %dma_start3A_76 = tpu.memref_squeeze %dma_start3A_75 : memref<1x4096xf32, #tpu.memory_space<vmem>> -> memref<4096xf32, #tpu.memory_space<vmem>>
      %dma_start3A_77 = arith.constant 4096 : i32
      %dma_start3A_78 = tpu.memref_slice %arg4[%add3A_30, %dma_start3A_77] : memref<336x16384xf32, #tpu.memory_space<hbm>> -> memref<1x4096xf32, #tpu.memory_space<hbm>>
      %dma_start3A_79 = tpu.memref_squeeze %dma_start3A_78 : memref<1x4096xf32, #tpu.memory_space<hbm>> -> memref<4096xf32, #tpu.memory_space<hbm>>
      %dma_start3A_80 = arith.constant 4096 : i32
      %dma_start3A_81 = tpu.memref_slice %arg4[%add3A_30, %dma_start3A_80] : memref<336x16384xf32, #tpu.memory_space<hbm>> -> memref<1x4096xf32, #tpu.memory_space<hbm>>
      %dma_start3A_82 = tpu.memref_squeeze %dma_start3A_81 : memref<1x4096xf32, #tpu.memory_space<hbm>> -> memref<4096xf32, #tpu.memory_space<hbm>>
      %dma_start3A_83 = arith.constant 0 : i32
      %dma_start3A_84 = tpu.memref_slice %arg7[%dma_start3A_73, %dma_start3A_83] : memref<2x4096xf32, #tpu.memory_space<vmem>> -> memref<1x4096xf32, #tpu.memory_space<vmem>>
      %dma_start3A_85 = tpu.memref_squeeze %dma_start3A_84 : memref<1x4096xf32, #tpu.memory_space<vmem>> -> memref<4096xf32, #tpu.memory_space<vmem>>
      tpu.enqueue_dma source(%dma_start3A_85 : memref<4096xf32, #tpu.memory_space<vmem>>) target(%dma_start3A_82 : memref<4096xf32, #tpu.memory_space<hbm>>) target_semaphore(%arg9 : memref<!tpu.dma_semaphore, #tpu.memory_space<semaphore_mem>>)
      %dma_wait3A = arith.constant 0 : i32
      %dma_wait3A_86 = arith.constant 0 : i32
      %dma_wait3A_87 = tpu.memref_slice %arg7[%dma_wait3A, %dma_wait3A_86] : memref<2x4096xf32, #tpu.memory_space<vmem>> -> memref<1x4096xf32, #tpu.memory_space<vmem>>
      %dma_wait3A_88 = tpu.memref_squeeze %dma_wait3A_87 : memref<1x4096xf32, #tpu.memory_space<vmem>> -> memref<4096xf32, #tpu.memory_space<vmem>>
      %dma_wait3A_89 = arith.constant 0 : i32
      %dma_wait3A_90 = tpu.memref_slice %arg4[%add3A_30, %dma_wait3A_89] : memref<336x16384xf32, #tpu.memory_space<hbm>> -> memref<1x4096xf32, #tpu.memory_space<hbm>>
      %dma_wait3A_91 = tpu.memref_squeeze %dma_wait3A_90 : memref<1x4096xf32, #tpu.memory_space<hbm>> -> memref<4096xf32, #tpu.memory_space<hbm>>
      %dma_wait3A_92 = arith.constant 0 : i32
      %dma_wait3A_93 = tpu.memref_slice %arg4[%add3A_30, %dma_wait3A_92] : memref<336x16384xf32, #tpu.memory_space<hbm>> -> memref<1x4096xf32, #tpu.memory_space<hbm>>
      %dma_wait3A_94 = tpu.memref_squeeze %dma_wait3A_93 : memref<1x4096xf32, #tpu.memory_space<hbm>> -> memref<4096xf32, #tpu.memory_space<hbm>>
      %dma_wait3A_95 = arith.constant 0 : i32
      %dma_wait3A_96 = tpu.memref_slice %arg7[%dma_wait3A, %dma_wait3A_95] : memref<2x4096xf32, #tpu.memory_space<vmem>> -> memref<1x4096xf32, #tpu.memory_space<vmem>>
      %dma_wait3A_97 = tpu.memref_squeeze %dma_wait3A_96 : memref<1x4096xf32, #tpu.memory_space<vmem>> -> memref<4096xf32, #tpu.memory_space<vmem>>
      tpu.wait_dma2 semaphore(%arg8 : memref<!tpu.dma_semaphore, #tpu.memory_space<semaphore_mem>>) src(%dma_wait3A_97 : memref<4096xf32, #tpu.memory_space<vmem>>) dst(%dma_wait3A_94 : memref<4096xf32, #tpu.memory_space<hbm>>)
      %parallel_loop3A_98 = arith.constant 0 : i32
      %parallel_loop3A_99 = arith.constant 256 : i32
      %parallel_loop3A_100 = arith.constant 1 : i32
      scf.for %parallel_loop3A_169 = %parallel_loop3A_98 to %parallel_loop3A_99 step %parallel_loop3A_100  : i32 {
        %parallel_loop3A_170 = arith.constant 16 : i32
        %parallel_loop3A_171 = arith.muli %parallel_loop3A_169, %parallel_loop3A_170 : i32
        %parallel_loop3A_172 = arith.constant 8192 : i32
        %parallel_loop3A_173 = arith.addi %parallel_loop3A_172, %parallel_loop3A_171 : i32
        %parallel_loop3A_174 = arith.index_cast %parallel_loop3A_173 : i32 to index
        %parallel_loop3A_175 = tpu.vector_load %arg5[%parallel_loop3A_174] {strides = array<i32>} : memref<16384xi32, #tpu.memory_space<vmem>>, vector<16xi32>,
        %parallel_loop3A_176 = tpu.vector_load_idx %arg6[%parallel_loop3A_175] : memref<100000xf32, #tpu.memory_space<vmem>>[vector<16xi32>], vector<16xf32>,
        %parallel_loop3A_177 = arith.constant 16 : i32
        %parallel_loop3A_178 = arith.muli %parallel_loop3A_169, %parallel_loop3A_177 : i32
        %parallel_loop3A_179 = arith.constant 0 : i32
        %parallel_loop3A_180 = arith.index_cast %parallel_loop3A_179 : i32 to index
        %parallel_loop3A_181 = arith.index_cast %parallel_loop3A_178 : i32 to index
        %parallel_loop3A_182 = tpu.vector_load %arg7[%parallel_loop3A_180, %parallel_loop3A_181] {strides = array<i32>} : memref<2x4096xf32, #tpu.memory_space<vmem>>, vector<16xf32>,
        tpu.vector_store %arg7[%parallel_loop3A_180, %parallel_loop3A_181], %parallel_loop3A_176 {strides = array<i32>} : memref<2x4096xf32, #tpu.memory_space<vmem>>, vector<16xf32>,
      } {sc.loop_unroll_factor = 16 : i64, sc.parallel_access}
      %dma_start3A_101 = arith.constant 0 : i32
      %dma_start3A_102 = arith.constant 0 : i32
      %dma_start3A_103 = tpu.memref_slice %arg7[%dma_start3A_101, %dma_start3A_102] : memref<2x4096xf32, #tpu.memory_space<vmem>> -> memref<1x4096xf32, #tpu.memory_space<vmem>>
      %dma_start3A_104 = tpu.memref_squeeze %dma_start3A_103 : memref<1x4096xf32, #tpu.memory_space<vmem>> -> memref<4096xf32, #tpu.memory_space<vmem>>
      %dma_start3A_105 = arith.constant 8192 : i32
      %dma_start3A_106 = tpu.memref_slice %arg4[%add3A_30, %dma_start3A_105] : memref<336x16384xf32, #tpu.memory_space<hbm>> -> memref<1x4096xf32, #tpu.memory_space<hbm>>
      %dma_start3A_107 = tpu.memref_squeeze %dma_start3A_106 : memref<1x4096xf32, #tpu.memory_space<hbm>> -> memref<4096xf32, #tpu.memory_space<hbm>>
      %dma_start3A_108 = arith.constant 8192 : i32
      %dma_start3A_109 = tpu.memref_slice %arg4[%add3A_30, %dma_start3A_108] : memref<336x16384xf32, #tpu.memory_space<hbm>> -> memref<1x4096xf32, #tpu.memory_space<hbm>>
      %dma_start3A_110 = tpu.memref_squeeze %dma_start3A_109 : memref<1x4096xf32, #tpu.memory_space<hbm>> -> memref<4096xf32, #tpu.memory_space<hbm>>
      %dma_start3A_111 = arith.constant 0 : i32
      %dma_start3A_112 = tpu.memref_slice %arg7[%dma_start3A_101, %dma_start3A_111] : memref<2x4096xf32, #tpu.memory_space<vmem>> -> memref<1x4096xf32, #tpu.memory_space<vmem>>
      %dma_start3A_113 = tpu.memref_squeeze %dma_start3A_112 : memref<1x4096xf32, #tpu.memory_space<vmem>> -> memref<4096xf32, #tpu.memory_space<vmem>>
      tpu.enqueue_dma source(%dma_start3A_113 : memref<4096xf32, #tpu.memory_space<vmem>>) target(%dma_start3A_110 : memref<4096xf32, #tpu.memory_space<hbm>>) target_semaphore(%arg8 : memref<!tpu.dma_semaphore, #tpu.memory_space<semaphore_mem>>)
      %dma_wait3A_114 = arith.constant 1 : i32
      %dma_wait3A_115 = arith.constant 0 : i32
      %dma_wait3A_116 = tpu.memref_slice %arg7[%dma_wait3A_114, %dma_wait3A_115] : memref<2x4096xf32, #tpu.memory_space<vmem>> -> memref<1x4096xf32, #tpu.memory_space<vmem>>
      %dma_wait3A_117 = tpu.memref_squeeze %dma_wait3A_116 : memref<1x4096xf32, #tpu.memory_space<vmem>> -> memref<4096xf32, #tpu.memory_space<vmem>>
      %dma_wait3A_118 = arith.constant 4096 : i32
      %dma_wait3A_119 = tpu.memref_slice %arg4[%add3A_30, %dma_wait3A_118] : memref<336x16384xf32, #tpu.memory_space<hbm>> -> memref<1x4096xf32, #tpu.memory_space<hbm>>
      %dma_wait3A_120 = tpu.memref_squeeze %dma_wait3A_119 : memref<1x4096xf32, #tpu.memory_space<hbm>> -> memref<4096xf32, #tpu.memory_space<hbm>>
      %dma_wait3A_121 = arith.constant 4096 : i32
      %dma_wait3A_122 = tpu.memref_slice %arg4[%add3A_30, %dma_wait3A_121] : memref<336x16384xf32, #tpu.memory_space<hbm>> -> memref<1x4096xf32, #tpu.memory_space<hbm>>
      %dma_wait3A_123 = tpu.memref_squeeze %dma_wait3A_122 : memref<1x4096xf32, #tpu.memory_space<hbm>> -> memref<4096xf32, #tpu.memory_space<hbm>>
      %dma_wait3A_124 = arith.constant 0 : i32
      %dma_wait3A_125 = tpu.memref_slice %arg7[%dma_wait3A_114, %dma_wait3A_124] : memref<2x4096xf32, #tpu.memory_space<vmem>> -> memref<1x4096xf32, #tpu.memory_space<vmem>>
      %dma_wait3A_126 = tpu.memref_squeeze %dma_wait3A_125 : memref<1x4096xf32, #tpu.memory_space<vmem>> -> memref<4096xf32, #tpu.memory_space<vmem>>
      tpu.wait_dma2 semaphore(%arg9 : memref<!tpu.dma_semaphore, #tpu.memory_space<semaphore_mem>>) src(%dma_wait3A_126 : memref<4096xf32, #tpu.memory_space<vmem>>) dst(%dma_wait3A_123 : memref<4096xf32, #tpu.memory_space<hbm>>)
      %parallel_loop3A_127 = arith.constant 0 : i32
      %parallel_loop3A_128 = arith.constant 256 : i32
      %parallel_loop3A_129 = arith.constant 1 : i32
      scf.for %parallel_loop3A_169 = %parallel_loop3A_127 to %parallel_loop3A_128 step %parallel_loop3A_129  : i32 {
        %parallel_loop3A_170 = arith.constant 16 : i32
        %parallel_loop3A_171 = arith.muli %parallel_loop3A_169, %parallel_loop3A_170 : i32
        %parallel_loop3A_172 = arith.constant 12288 : i32
        %parallel_loop3A_173 = arith.addi %parallel_loop3A_172, %parallel_loop3A_171 : i32
        %parallel_loop3A_174 = arith.index_cast %parallel_loop3A_173 : i32 to index
        %parallel_loop3A_175 = tpu.vector_load %arg5[%parallel_loop3A_174] {strides = array<i32>} : memref<16384xi32, #tpu.memory_space<vmem>>, vector<16xi32>,
        %parallel_loop3A_176 = tpu.vector_load_idx %arg6[%parallel_loop3A_175] : memref<100000xf32, #tpu.memory_space<vmem>>[vector<16xi32>], vector<16xf32>,
        %parallel_loop3A_177 = arith.constant 16 : i32
        %parallel_loop3A_178 = arith.muli %parallel_loop3A_169, %parallel_loop3A_177 : i32
        %parallel_loop3A_179 = arith.constant 1 : i32
        %parallel_loop3A_180 = arith.index_cast %parallel_loop3A_179 : i32 to index
        %parallel_loop3A_181 = arith.index_cast %parallel_loop3A_178 : i32 to index
        %parallel_loop3A_182 = tpu.vector_load %arg7[%parallel_loop3A_180, %parallel_loop3A_181] {strides = array<i32>} : memref<2x4096xf32, #tpu.memory_space<vmem>>, vector<16xf32>,
        tpu.vector_store %arg7[%parallel_loop3A_180, %parallel_loop3A_181], %parallel_loop3A_176 {strides = array<i32>} : memref<2x4096xf32, #tpu.memory_space<vmem>>, vector<16xf32>,
      } {sc.loop_unroll_factor = 16 : i64, sc.parallel_access}
      %dma_start3A_130 = arith.constant 1 : i32
      %dma_start3A_131 = arith.constant 0 : i32
      %dma_start3A_132 = tpu.memref_slice %arg7[%dma_start3A_130, %dma_start3A_131] : memref<2x4096xf32, #tpu.memory_space<vmem>> -> memref<1x4096xf32, #tpu.memory_space<vmem>>
      %dma_start3A_133 = tpu.memref_squeeze %dma_start3A_132 : memref<1x4096xf32, #tpu.memory_space<vmem>> -> memref<4096xf32, #tpu.memory_space<vmem>>
      %dma_start3A_134 = arith.constant 12288 : i32
      %dma_start3A_135 = tpu.memref_slice %arg4[%add3A_30, %dma_start3A_134] : memref<336x16384xf32, #tpu.memory_space<hbm>> -> memref<1x4096xf32, #tpu.memory_space<hbm>>
      %dma_start3A_136 = tpu.memref_squeeze %dma_start3A_135 : memref<1x4096xf32, #tpu.memory_space<hbm>> -> memref<4096xf32, #tpu.memory_space<hbm>>
      %dma_start3A_137 = arith.constant 12288 : i32
      %dma_start3A_138 = tpu.memref_slice %arg4[%add3A_30, %dma_start3A_137] : memref<336x16384xf32, #tpu.memory_space<hbm>> -> memref<1x4096xf32, #tpu.memory_space<hbm>>
      %dma_start3A_139 = tpu.memref_squeeze %dma_start3A_138 : memref<1x4096xf32, #tpu.memory_space<hbm>> -> memref<4096xf32, #tpu.memory_space<hbm>>
      %dma_start3A_140 = arith.constant 0 : i32
      %dma_start3A_141 = tpu.memref_slice %arg7[%dma_start3A_130, %dma_start3A_140] : memref<2x4096xf32, #tpu.memory_space<vmem>> -> memref<1x4096xf32, #tpu.memory_space<vmem>>
      %dma_start3A_142 = tpu.memref_squeeze %dma_start3A_141 : memref<1x4096xf32, #tpu.memory_space<vmem>> -> memref<4096xf32, #tpu.memory_space<vmem>>
      tpu.enqueue_dma source(%dma_start3A_142 : memref<4096xf32, #tpu.memory_space<vmem>>) target(%dma_start3A_139 : memref<4096xf32, #tpu.memory_space<hbm>>) target_semaphore(%arg9 : memref<!tpu.dma_semaphore, #tpu.memory_space<semaphore_mem>>)
      %dma_wait3A_143 = arith.constant 0 : i32
      %dma_wait3A_144 = arith.constant 0 : i32
      %dma_wait3A_145 = tpu.memref_slice %arg7[%dma_wait3A_143, %dma_wait3A_144] : memref<2x4096xf32, #tpu.memory_space<vmem>> -> memref<1x4096xf32, #tpu.memory_space<vmem>>
      %dma_wait3A_146 = tpu.memref_squeeze %dma_wait3A_145 : memref<1x4096xf32, #tpu.memory_space<vmem>> -> memref<4096xf32, #tpu.memory_space<vmem>>
      %dma_wait3A_147 = arith.constant 8192 : i32
      %dma_wait3A_148 = tpu.memref_slice %arg4[%add3A_30, %dma_wait3A_147] : memref<336x16384xf32, #tpu.memory_space<hbm>> -> memref<1x4096xf32, #tpu.memory_space<hbm>>
      %dma_wait3A_149 = tpu.memref_squeeze %dma_wait3A_148 : memref<1x4096xf32, #tpu.memory_space<hbm>> -> memref<4096xf32, #tpu.memory_space<hbm>>
      %dma_wait3A_150 = arith.constant 8192 : i32
      %dma_wait3A_151 = tpu.memref_slice %arg4[%add3A_30, %dma_wait3A_150] : memref<336x16384xf32, #tpu.memory_space<hbm>> -> memref<1x4096xf32, #tpu.memory_space<hbm>>
      %dma_wait3A_152 = tpu.memref_squeeze %dma_wait3A_151 : memref<1x4096xf32, #tpu.memory_space<hbm>> -> memref<4096xf32, #tpu.memory_space<hbm>>
      %dma_wait3A_153 = arith.constant 0 : i32
      %dma_wait3A_154 = tpu.memref_slice %arg7[%dma_wait3A_143, %dma_wait3A_153] : memref<2x4096xf32, #tpu.memory_space<vmem>> -> memref<1x4096xf32, #tpu.memory_space<vmem>>
      %dma_wait3A_155 = tpu.memref_squeeze %dma_wait3A_154 : memref<1x4096xf32, #tpu.memory_space<vmem>> -> memref<4096xf32, #tpu.memory_space<vmem>>
      tpu.wait_dma2 semaphore(%arg8 : memref<!tpu.dma_semaphore, #tpu.memory_space<semaphore_mem>>) src(%dma_wait3A_155 : memref<4096xf32, #tpu.memory_space<vmem>>) dst(%dma_wait3A_152 : memref<4096xf32, #tpu.memory_space<hbm>>)
      %dma_wait3A_156 = arith.constant 1 : i32
      %dma_wait3A_157 = arith.constant 0 : i32
      %dma_wait3A_158 = tpu.memref_slice %arg7[%dma_wait3A_156, %dma_wait3A_157] : memref<2x4096xf32, #tpu.memory_space<vmem>> -> memref<1x4096xf32, #tpu.memory_space<vmem>>
      %dma_wait3A_159 = tpu.memref_squeeze %dma_wait3A_158 : memref<1x4096xf32, #tpu.memory_space<vmem>> -> memref<4096xf32, #tpu.memory_space<vmem>>
      %dma_wait3A_160 = arith.constant 12288 : i32
      %dma_wait3A_161 = tpu.memref_slice %arg4[%add3A_30, %dma_wait3A_160] : memref<336x16384xf32, #tpu.memory_space<hbm>> -> memref<1x4096xf32, #tpu.memory_space<hbm>>
      %dma_wait3A_162 = tpu.memref_squeeze %dma_wait3A_161 : memref<1x4096xf32, #tpu.memory_space<hbm>> -> memref<4096xf32, #tpu.memory_space<hbm>>
      %dma_wait3A_163 = arith.constant 12288 : i32
      %dma_wait3A_164 = tpu.memref_slice %arg4[%add3A_30, %dma_wait3A_163] : memref<336x16384xf32, #tpu.memory_space<hbm>> -> memref<1x4096xf32, #tpu.memory_space<hbm>>
      %dma_wait3A_165 = tpu.memref_squeeze %dma_wait3A_164 : memref<1x4096xf32, #tpu.memory_space<hbm>> -> memref<4096xf32, #tpu.memory_space<hbm>>
      %dma_wait3A_166 = arith.constant 0 : i32
      %dma_wait3A_167 = tpu.memref_slice %arg7[%dma_wait3A_156, %dma_wait3A_166] : memref<2x4096xf32, #tpu.memory_space<vmem>> -> memref<1x4096xf32, #tpu.memory_space<vmem>>
      %dma_wait3A_168 = tpu.memref_squeeze %dma_wait3A_167 : memref<1x4096xf32, #tpu.memory_space<vmem>> -> memref<4096xf32, #tpu.memory_space<vmem>>
      tpu.wait_dma2 semaphore(%arg9 : memref<!tpu.dma_semaphore, #tpu.memory_space<semaphore_mem>>) src(%dma_wait3A_168 : memref<4096xf32, #tpu.memory_space<vmem>>) dst(%dma_wait3A_165 : memref<4096xf32, #tpu.memory_space<hbm>>)
      scf.yield %select_n3A_50 : i32
    }
    return
  }
}

module attributes {stable_mosaic.version = 14 : i64} {
  func.func @_tc_body(%arg0: i32, %arg1: memref<336x4096xf32, #tpu.memory_space<vmem>>, %arg2: memref<22x4096xi32, #tpu.memory_space<vmem>>, %arg3: memref<8x1xf32, #tpu.memory_space<vmem>>, %arg4: memref<8x1xf32, #tpu.memory_space<vmem>>, %arg5: memref<32x344xf32, #tpu.memory_space<vmem>>, %arg6: memref<32x1xf32, #tpu.memory_space<vmem>>, %arg7: memref<32x4096xf32, #tpu.memory_space<vmem>>) attributes {dimension_semantics = [#tpu.dimension_semantics<arbitrary>], iteration_bounds = array<i64: 4>, scalar_prefetch = 0 : i64, scratch_operands = 0 : i64, tpu.core_type = #tpu.core_type<tc>, window_params = [{transform_indices = @transform_0, window_bounds = array<i64: 336, 4096>}, {transform_indices = @transform_1, window_bounds = array<i64: 22, 4096>}, {pipeline_mode = #tpu.pipeline_mode<synchronous>, transform_indices = @transform_2, window_bounds = array<i64: 8, 1>}, {pipeline_mode = #tpu.pipeline_mode<synchronous>, transform_indices = @transform_3, window_bounds = array<i64: 8, 1>}, {pipeline_mode = #tpu.pipeline_mode<synchronous>, transform_indices = @transform_4, window_bounds = array<i64: 32, 344>}, {pipeline_mode = #tpu.pipeline_mode<synchronous>, transform_indices = @transform_5, window_bounds = array<i64: 32, 1>}, {transform_indices = @transform_6, window_bounds = array<i64: 32, 4096>}]} {
    %get3A = arith.constant 21 : index
    %get3A_0 = arith.constant 0 : index
    %get3A_1 = vector.load %arg2[%get3A, %get3A_0] : memref<22x4096xi32, #tpu.memory_space<vmem>>, vector<1x4096xi32>
    %convert_element_type3A = arith.sitofp %get3A_1 : vector<1x4096xi32> to vector<1x4096xf32>
    %get3A_2 = arith.constant 0 : index
    %get3A_3 = arith.constant 0 : index
    %get3A_4 = vector.load %arg3[%get3A_2, %get3A_3] : memref<8x1xf32, #tpu.memory_space<vmem>>, vector<8x1xf32>
    %mul3A = vector.broadcast %get3A_4 : vector<8x1xf32> to vector<8x4096xf32>
    %mul3A_5 = vector.broadcast %convert_element_type3A : vector<1x4096xf32> to vector<8x4096xf32>
    %mul3A_6 = arith.mulf %mul3A, %mul3A_5 : vector<8x4096xf32>
    %get3A_7 = arith.constant 0 : index
    %get3A_8 = arith.constant 0 : index
    %get3A_9 = vector.load %arg4[%get3A_7, %get3A_8] : memref<8x1xf32, #tpu.memory_space<vmem>>, vector<8x1xf32>
    %add3A = vector.broadcast %get3A_9 : vector<8x1xf32> to vector<8x4096xf32>
    %add3A_10 = arith.addf %mul3A_6, %add3A : vector<8x4096xf32>
    %ge3A = arith.constant 0.000000e+00 : f32
    %ge3A_11 = vector.broadcast %ge3A : f32 to vector<8x4096xf32>
    %ge3A_12 = arith.cmpf oge, %add3A_10, %ge3A_11 : vector<8x4096xf32>
    %mul3A_13 = arith.constant 0.00999999977 : f32
    %mul3A_14 = vector.broadcast %mul3A_13 : f32 to vector<8x4096xf32>
    %mul3A_15 = arith.mulf %mul3A_14, %add3A_10 : vector<8x4096xf32>
    %select_n3A = arith.select %ge3A_12, %add3A_10, %mul3A_15 : vector<8x4096xi1>, vector<8x4096xf32>
    %get3A_16 = arith.constant 0 : index
    %get3A_17 = arith.constant 0 : index
    %get3A_18 = vector.load %arg5[%get3A_16, %get3A_17] : memref<32x344xf32, #tpu.memory_space<vmem>>, vector<32x336xf32>
    %get3A_19 = arith.constant 0 : index
    %get3A_20 = arith.constant 0 : index
    %get3A_21 = vector.load %arg1[%get3A_19, %get3A_20] : memref<336x4096xf32, #tpu.memory_space<vmem>>, vector<336x4096xf32>
    %dot_general3A = arith.constant dense<0.000000e+00> : vector<32x4096xf32>
    %dot_general3A_22 = tpu.matmul %get3A_18, %get3A_21, %dot_general3A {dimension_numbers = #tpu.dot_dimension_numbers<[1], [0], [0], [1], [0, 0, 1, 1], [], []>, transpose_lhs_hint = false} : vector<32x336xf32>, vector<336x4096xf32>, vector<32x4096xf32> -> vector<32x4096xf32>
    %get3A_23 = arith.constant 0 : index
    %get3A_24 = arith.constant 336 : index
    %get3A_25 = vector.load %arg5[%get3A_23, %get3A_24] : memref<32x344xf32, #tpu.memory_space<vmem>>, vector<32x8xf32>
    %dot_general3A_26 = arith.constant dense<0.000000e+00> : vector<32x4096xf32>
    %dot_general3A_27 = tpu.matmul %get3A_25, %select_n3A, %dot_general3A_26 {dimension_numbers = #tpu.dot_dimension_numbers<[1], [0], [0], [1], [0, 0, 1, 1], [], []>, transpose_lhs_hint = false} : vector<32x8xf32>, vector<8x4096xf32>, vector<32x4096xf32> -> vector<32x4096xf32>
    %add3A_28 = arith.addf %dot_general3A_22, %dot_general3A_27 : vector<32x4096xf32>
    %get3A_29 = arith.constant 0 : index
    %get3A_30 = arith.constant 0 : index
    %get3A_31 = vector.load %arg6[%get3A_29, %get3A_30] : memref<32x1xf32, #tpu.memory_space<vmem>>, vector<32x1xf32>
    %add3A_32 = vector.broadcast %get3A_31 : vector<32x1xf32> to vector<32x4096xf32>
    %add3A_33 = arith.addf %add3A_28, %add3A_32 : vector<32x4096xf32>
    %ge3A_34 = arith.constant 0.000000e+00 : f32
    %ge3A_35 = vector.broadcast %ge3A_34 : f32 to vector<32x4096xf32>
    %ge3A_36 = arith.cmpf oge, %add3A_33, %ge3A_35 : vector<32x4096xf32>
    %mul3A_37 = arith.constant 0.00999999977 : f32
    %mul3A_38 = vector.broadcast %mul3A_37 : f32 to vector<32x4096xf32>
    %mul3A_39 = arith.mulf %mul3A_38, %add3A_33 : vector<32x4096xf32>
    %select_n3A_40 = arith.select %ge3A_36, %add3A_33, %mul3A_39 : vector<32x4096xi1>, vector<32x4096xf32>
    %swap3A = arith.constant 0 : index
    %swap3A_41 = arith.constant 0 : index
    %swap3A_42 = vector.load %arg7[%swap3A, %swap3A_41] : memref<32x4096xf32, #tpu.memory_space<vmem>>, vector<32x4096xf32>
    tpu.vector_store %arg7[%swap3A, %swap3A_41], %select_n3A_40 {strides = array<i32>} : memref<32x4096xf32, #tpu.memory_space<vmem>>, vector<32x4096xf32>,
    return
  }
  func.func @transform_0(%arg0: i32) -> (i32, i32) {
    %c0_i32 = arith.constant 0 : i32
    %c0_i32_0 = arith.constant 0 : i32
    return %c0_i32, %arg0 : i32, i32
  }
  func.func @transform_1(%arg0: i32) -> (i32, i32) {
    %c0_i32 = arith.constant 0 : i32
    %c0_i32_0 = arith.constant 0 : i32
    return %c0_i32, %arg0 : i32, i32
  }
  func.func @transform_2(%arg0: i32) -> (i32, i32) {
    %c0_i32 = arith.constant 0 : i32
    %c0_i32_0 = arith.constant 0 : i32
    %c0_i32_1 = arith.constant 0 : i32
    return %c0_i32, %c0_i32_0 : i32, i32
  }
  func.func @transform_3(%arg0: i32) -> (i32, i32) {
    %c0_i32 = arith.constant 0 : i32
    %c0_i32_0 = arith.constant 0 : i32
    %c0_i32_1 = arith.constant 0 : i32
    return %c0_i32, %c0_i32_0 : i32, i32
  }
  func.func @transform_4(%arg0: i32) -> (i32, i32) {
    %c0_i32 = arith.constant 0 : i32
    %c0_i32_0 = arith.constant 0 : i32
    %c0_i32_1 = arith.constant 0 : i32
    return %c0_i32, %c0_i32_0 : i32, i32
  }
  func.func @transform_5(%arg0: i32) -> (i32, i32) {
    %c0_i32 = arith.constant 0 : i32
    %c0_i32_0 = arith.constant 0 : i32
    %c0_i32_1 = arith.constant 0 : i32
    return %c0_i32, %c0_i32_0 : i32, i32
  }
  func.func @transform_6(%arg0: i32) -> (i32, i32) {
    %c0_i32 = arith.constant 0 : i32
    %c0_i32_0 = arith.constant 0 : i32
    return %c0_i32, %arg0 : i32, i32
  }
}

</mosaic_0001>

<sc_bundles>
// kernel: kernel.4.cloned.1.call-start
scs
__scs_entry_jumppad:
0x0: {  	(pc) =	sbr.rel $0x88, $3  }
0x1: {  	(tag) =	ssettag $0x0;
	lr =	simm.s32 $0x1  }
0x2: {  	[smem:$0x3F9B] =	sst lr;
	_ =	strace $0xD0000000  }
0x3: {  	_ = 	snop  }
0x4: {  	_ = 	snop  }
0x5: {  	_ = 	snop  }
0x6: {  	_ = 	snop  }
0x7: {  	_ = 	snop  }
__scs_overlays_trampoline_lowered:
0x8: {  	[smem:$0x3FAA] =	sst s0  }
0x9: {  	[smem:$0x3FAB] =	sst s1  }
0xa: {  	[smem:$0x3FAC] =	sst s2  }
0xb: {  	[smem:$0x3FAD] =	sst s3  }
0xc: {  	[smem:$0x3FAE] =	sst s4  }
0xd: {  	[smem:$0x3FAF] =	sst s5  }
0xe: {  	[smem:$0x3FB0] =	sst s6  }
0xf: {  	[smem:$0x3FB1] =	sst s7  }
0x10: {  	[smem:$0x3FB2] =	sst s8  }
0x11: {  	[smem:$0x3FB3] =	sst s9;
	s0 =	simm.s32 @!p0 $0x0  }
0x12: {  	s1 =	sld [smem:$0x3F99];
	s0 =	simm.s32 @p0 $0x1  }
0x13: {  	[smem:$0x3FB4] =	sst s0;
	s0 =	simm.s32 @!p1 $0x0  }
0x14: {  	s2 =	sld [smem:$0x3F98];
	s0 =	simm.s32 @p1 $0x1  }
0x15: {  	[smem:$0x3FB5] =	sst s0;
	s0 =	simm.s32 @!p2 $0x0  }
0x16: {  	s3 =	sld [smem:$0x3FDB];
	s0 =	simm.s32 @p2 $0x1  }
0x17: {  	s4 =	simm.s32 $0x1BF5;
	[smem:$0x3FB7] =	sst s0  }
0x18: {  	s0 =	sld [smem:$0x3F9A];
	_ =	swait.ge [sflag:s4], $0x0  }
0x19: {  	s7 =	sld [smem:$0x3F9B]  }
0x1a: {  	s8 =	sadd.s32 $0xFFFFE003, lr  }
0x1b: {  	s9 =	sadd.s32 $0xFFFFFEF7, lr;
	s5 =	simm.s32 $0xFFFFFFFF;
	p2 =	slt.u32 s8, $0xFFFFF086  }
0x1c: {  	p1 =	slt.u32 s9, $0xF7A;
	s5 =	simm.s32 @!p2 $0x0  }
0x1d: {  	s5 =	simm.s32 @p1 $0x1;
	p0 =	seq.s32 s7, s2  }
0x1e: {  	s7 =	smul.u32 @!p0 $0xF7A, s2;
	p2 =	seq.s32 @!p0 s5, $0x0  }
0x1f: {  	s9 =	smul.u32 $0xF7A, s1;
	s8 =	simm.s32 @!p0 $0x1BF5;
	p2 =	por !p2, p0  }
0x20: {  	[sflag:s8] =	ssyncset.s32 @!p0 $0xFFFFF086;
	s6 =	sadd.s32 @!p0 s3, s7;
	s7 =	simm.s32 @!p0 $0x108  }
0x21: {  	s3 =	sadd.s32 s3, s9;
	s6 =	sadd.s32 @!p0 $0x88, s6;
	s7 =	simm.s32 @p2 $0x1082  }
0x22: {  	[simem:s7], [sflag:s8] =	dma.local @!p0 [hbm:s6], $0xF7A  }
0x23: {  	s9 =	sor.u32 $0xD0000000, s2;
	s6 =	simm.s32 $0x108;
	_ =	swait.ge @!p0 [sflag:s8], $0x0  }
0x24: {  	s3 =	sadd.s32 $0x88, s3;
	s6 =	simm.s32 @!p1 $0x1082;
	[sflag:s4] =	ssyncset.s32 $0xFFFFF086  }
0x25: {  	[simem:s6], [sflag:s4] =	dma.local [hbm:s3], $0xF7A  }
0x26: {  	[smem:$0x3F9B] =	sst s1;
	(tag) =	ssettag s2;
	_ =	strace s9  }
0x27: {  	s1 =	sld [smem:$0x3FAB]  }
0x28: {  	s2 =	sld [smem:$0x3FAC]  }
0x29: {  	s4 =	sld [smem:$0x3FAE]  }
0x2a: {  	p0 =	seq.s32 s5, $0x0;
	s5 =	sld [smem:$0x3FAF]  }
0x2b: {  	s6 =	sld [smem:$0x3FB0]  }
0x2c: {  	s7 =	sld [smem:$0x3FB1]  }
0x2d: {  	s3 =	simm.s32 $0x108;
	s8 =	sld [smem:$0x3FB2]  }
0x2e: {  	s3 =	simm.s32 @!p0 $0x1082;
	s9 =	sld [smem:$0x3FB3]  }
0x2f: {  	lr =	sadd.s32 s0, s3;
	s0 =	sld [smem:$0x3FAA]  }
0x30: {  	s3 =	sld [smem:$0x3FAD]  }
0x31: {  	[smem:$0x3FB6] =	sst s10  }
0x32: {  	s10 =	sld [smem:$0x3FB4];
	_ =	sdelay $0x3  }
0x33: {  	p0 =	seq.s32 s10, $0x1;
	s10 =	sld [smem:$0x3FB6];
	_ =	sdelay $0x3  }
0x34: {  	[smem:$0x3FB6] =	sst s10  }
0x35: {  	s10 =	sld [smem:$0x3FB5];
	_ =	sdelay $0x3  }
0x36: {  	p1 =	seq.s32 s10, $0x1;
	s10 =	sld [smem:$0x3FB6];
	_ =	sdelay $0x3  }
0x37: {  	[smem:$0x3FB6] =	sst s10  }
0x38: {  	s10 =	sld [smem:$0x3FB7]  }
0x39: {  	_ = 	snop;
	(pc) =	sbr.ind lr, $3  }
0x3a: {  	_ = 	snop  }
0x3b: {  	_ = 	snop  }
0x3c: {  	p2 =	seq.s32 s10, $0x1;
	s10 =	sld [smem:$0x3FB6]  }
0x3d: {  	_ =	shalt  }
0x3e: {  	_ =	shalt  }
0x3f: {  	_ =	shalt  }
0x40: {  	_ =	shalt  }
0x41: {  	_ =	shalt  }
0x42: {  	_ =	shalt  }
0x43: {  	_ =	shalt  }
0x44: {  	_ =	shalt  }
0x45: {  	_ =	shalt  }
0x46: {  	_ =	shalt  }
0x47: {  	_ =	shalt  }
0x48: {  	_ =	shalt  }
0x49: {  	_ =	shalt  }
0x4a: {  	_ =	shalt  }
0x4b: {  	_ =	shalt  }
0x4c: {  	_ =	shalt  }
0x4d: {  	_ =	shalt  }
0x4e: {  	_ =	shalt  }
0x4f: {  	_ =	shalt  }
0x50: {  	_ =	shalt  }
0x51: {  	_ =	shalt  }
0x52: {  	_ =	shalt  }
0x53: {  	_ =	shalt  }
0x54: {  	_ =	shalt  }
0x55: {  	_ =	shalt  }
0x56: {  	_ =	shalt  }
0x57: {  	_ =	shalt  }
0x58: {  	_ =	shalt  }
0x59: {  	_ =	shalt  }
0x5a: {  	_ =	shalt  }
0x5b: {  	_ =	shalt  }
0x5c: {  	_ =	shalt  }
0x5d: {  	_ =	shalt  }
0x5e: {  	_ =	shalt  }
0x5f: {  	_ =	shalt  }
0x60: {  	_ =	shalt  }
0x61: {  	_ =	shalt  }
0x62: {  	_ =	shalt  }
0x63: {  	_ =	shalt  }
0x64: {  	_ =	shalt  }
0x65: {  	_ =	shalt  }
0x66: {  	_ =	shalt  }
0x67: {  	_ =	shalt  }
0x68: {  	_ =	shalt  }
0x69: {  	_ =	shalt  }
0x6a: {  	_ =	shalt  }
0x6b: {  	_ =	shalt  }
0x6c: {  	_ =	shalt  }
0x6d: {  	_ =	shalt  }
0x6e: {  	_ =	shalt  }
0x6f: {  	_ =	shalt  }
0x70: {  	_ =	shalt  }
0x71: {  	_ =	shalt  }
0x72: {  	_ =	shalt  }
0x73: {  	_ =	shalt  }
0x74: {  	_ =	shalt  }
0x75: {  	_ =	shalt  }
0x76: {  	_ =	shalt  }
0x77: {  	_ =	shalt  }
0x78: {  	_ =	shalt  }
0x79: {  	_ =	shalt  }
0x7a: {  	_ =	shalt  }
0x7b: {  	_ =	shalt  }
0x7c: {  	_ =	shalt  }
0x7d: {  	_ =	shalt  }
0x7e: {  	_ =	shalt  }
0x7f: {  	_ =	shalt  }
0x80: {  	_ =	shalt  }
0x81: {  	_ =	shalt  }
0x82: {  	_ =	shalt  }
0x83: {  	_ =	shalt  }
0x84: {  	_ =	shalt  }
0x85: {  	_ =	shalt  }
0x86: {  	_ =	shalt  }
0x87: {  	_ =	shalt  }
.Lfunc_end0:
.L_simem_size_0:
called_computation_lowered:
.L_overlay_start_0:
0x88: {  	s2 =	sld [smem:$0x3FD9]  }
0x89: {  	s3 =	sld [smem:$0x3FFE];
	_ =	sdelay $0x1  }
0x8a: {  	s1 =	srdreg.scid  }
0x8b: {  	s0 =	sand.u32 $0x1, s1  }
0x8c: {  	s17 =	sshll.u32 s0, $0xA;
	s2 =	sadd.s32 s3, s2  }
0x8d: {  	s2 =	sadd.s32 s2, s17  }
0x8e: {  	[smem:$0x3FC2] =	sst s2  }
0x8f: {  	_ = 	snop  }
0x90: {  	s2 =	sld [smem:$0x3FC9]  }
0x91: {  	s18 =	sld [smem:$0x3FC8];
	(tm) =	ssettm $0x1  }
0x92: {  	s4 =	sld [smem:$0x3FFB];
	_ =	sdelay $0x3  }
0x93: {  	_ =	strace s4  }
0x94: {  	s4 =	sld [smem:$0x3FFC];
	_ =	sdelay $0x3  }
0x95: {  	_ =	strace s4  }
0x96: {  	s4 =	sld [smem:$0x3FFD];
	_ =	sdelay $0x3  }
0x97: {  	_ =	strace s4  }
0x98: {  	_ =	strace $0x8FFFFFFF  }
0x99: {  	s19 =	sld [smem:$0x3FDB];
	_ =	sdelay $0x1  }
0x9a: {  	s5 =	simm.s32 $_scs_section_size  }
0x9b: {  	s6 =	simm.s32 $_size__tile_overlayer_lowered;
	s7 =	simm.s32 $_tile_overlayer_lowered  }
0x9c: {  	s22 =	simm.s32 $0x1BFF;
	s21 =	sshll.u32 s7, $0x1;
	s4 =	sadd.s32 s5, s19  }
0x9d: {  	s8 =	simm.s32 $0x0;
	s20 =	sshll.u32 s6, $0x1;
	s6 =	sadd.s32 s21, s4  }
0x9e: {  	[timem:s8], [sflag:s22] =	dma.local [hbm:s6], s20  }
0x9f: {  	_ =	swait.ge [sflag:s22], s20  }
0xa0: {  	s5 =	ssub.s32 $0x0, s20;
	[sflag:s22] =	ssyncset.done $0x0  }
0xa1: {  	[sflag:s22] =	ssyncadd.s32 s5;
	_ =	sdelay $0x1  }
0xa2: {  	s23 =	simm.s32 $0x1B8B  }
0xa3: {  	_ =	swait.ge [sflag:s23], $0x1  }
0xa4: {  	[sflag:s23] =	ssyncset.done $0x0  }
0xa5: {  	s25 =	simm.s32 $0x1B8E;
	s24 =	sld [smem:$0x3FFE];
	[sflag:s23] =	ssyncadd.s32 $0xFFFFFFFF  }
0xa6: {  	s26 =	simm.s32 $execute0_lowered;
	[smem:$0x3FD2] =	sst s25  }
0xa7: {  	s6 =	sshll.u32 s26, $0x1;
	_ =	strace $0x80000046;
	[dreg:$0x1] =	wrdreg $0xFFFFFFFF  }
0xa8: {  	s28 =	simm.s32 $_size_execute0_lowered;
	s4 =	sadd.s32 s4, s6;
	[dreg:$0x0] =	wrdreg $0x0  }
0xa9: {  	s6 =	sshll.u32 s28, $0x1;
	[dreg:$0x2] =	wrdreg s4  }
0xaa: {  	[dreg:$0x3] =	wrdreg s6  }
0xab: {  	[dreg:$0x4] =	wrdreg $0xC0  }
0xac: {  	_ =	task [dreg:s8], $0x5FFFF  }
0xad: {  	[dreg:$0x1] =	wrdreg $0xFFFFFFFF  }
0xae: {  	[dreg:$0x0] =	wrdreg $0x60  }
0xaf: {  	[dreg:$0x2] =	wrdreg s2  }
0xb0: {  	[dreg:$0x3] =	wrdreg s18  }
0xb1: {  	[dreg:$0x4] =	wrdreg s24  }
0xb2: {  	[dreg:$0x5] =	wrdreg $0x9  }
0xb3: {  	_ =	task.clear_ibuf [dreg:s8], $0x6FFFF;
	_ =	strace $0x90000046  }
0xb4: {  	s29 =	simm.s32 $0x9;
	_ =	strace $0x80000048  }
0xb5: {  	_ =	swait.ge [sflag:s29], $0x1  }
0xb6: {  	[sflag:s29] =	ssyncadd.s32 $0xFFFFFFFF  }
0xb7: {  	_ =	strace $0x90000048  }
0xb8: {  	_ =	sfence  }
0xb9: {  	s30 =	sld [smem:$0x0];
	_ =	sdelay $0x2  }
0xba: {  	s31 =	sshll.u32 s1, $0xD;
	s1 =	sshrl.u32 s1, $0x2  }
0xbb: {  	s3 =	sand.u32 $0x4000, s31;
	s1 =	sadd.s32 s1, s30  }
0xbc: {  	s0 =	sor.u32 s3, s0;
	s1 =	sshll.u32 s1, $0x11  }
0xbd: {  	s0 =	sor.u32 s1, s0  }
0xbe: {  	s0 =	sadd.s32 $0x8F2B, s0  }
0xbf: {  	[sflag:s0] =	ssyncadd.remote.s32 $0x1  }
0xc0: {  	_ =	sfence.sel $0xFFFF  }
0xc1: {  	[dreg:$0x0] =	wrdreg $0xFFFFFFFF;
	(pc) =	sbr.abs _section_cstart, $3  }
0xc2: {  	[dreg:$0x1] =	wrdreg $0xFFFFFFFF  }
0xc3: {  	_ =	task.clear_ibuf [dreg:s8], $0x2FFFF;
	_ =	strace $0x9FFFFFFF  }
0xc4: {  	(tm) =	ssettm $0x7FFFFFFF  }
0xc5: {  	_ =	shalt  }
tec
execute0_lowered:
.L_overlay_start_1:
0x0: {  	(tag) =	ssettag $0x1  }
0x1: {  	s1 =	rddreg [dreg:$0x0]  }
0x2: {  	s2 =	rddreg [dreg:$0x1]  }
0x3: {  	s10 =	rddreg [dreg:$0x2]  }
0x4: {  	s0 =	rddreg [dreg:$0x3];
	s5 =	srdreg.scid  }
0x5: {  	s4 =	simm.s32 $0x0;
	s3 =	stileid.u32;
	s12 =	simm.s32 $0x400  }
0x6: {  	s13 =	simm.s32 $0x4000;
	s14 =	simm.s32 $0x3;
	s15 =	simm.s32 $0x1  }
0x7: {  	s16 =	simm.s32 $0x2;
	s17 =	simm.s32 $0x0;
	s5 =	sand.u32 $0x1, s5  }
0x8: {  	[smem:$0x7FF] =	sst s4;
	s7 =	sshll.u32 s3, $0x1;
	p0 =	slt.u32 s3, $0x8  }
0x9: {  	s9 =	sadd.s32 $0x2E00, s10;
	s6 =	ssub.s32 $0x2, s5;
	_ =	strace $0x80000047  }
0xa: {  	s7 =	sor.u32 s5, s7;
	s5 =	sadd.s32 $0xE00, s10;
	s8 =	sshrl.u32 s6, $0x1  }
0xb: {  	s31 =	smul.u32 $0xA, s7;
	s7 =	smin.u32 s7, $0x10;
	s11 =	ssub.s32 s6, s8  }
0xc: {  	s6 =	simm.s32 $0xB;
	s8 =	sadd.s32 $0x1E00, s10;
	s10 =	sadd.s32 $0x3E00, s10  }
0xd: {  	s7 =	sadd.s32 s7, s31;
	s6 =	simm.s32 @!p0 $0xA;
	s11 =	smax.u32 s11, $0x1  }
.LBB2_1:
0xe: {  	s19 =	simm.s32 $0xFFFFFFFF;
	s18 =	simm.s32 $0x0  }
.LBB2_2:
0xf: {  	s20 =	sadd.s32 s18, s7  }
0x10: {  	s21 =	smov.u32 s19;
	s19 =	sshrl.u32 s20, $0x4  }
0x11: {  	p0 =	seq.s32 s19, s21  }
0x12: {  	s21 =	sshll.u32 @!p0 s19, $0xE;
	s22 =	sshll.u32 @!p0 s19, $0x7  }
0x13: {  	s21 =	sand.u32 @!p0 $0xFFFE0000, s21;
	s22 =	sand.u32 @!p0 $0x380, s22  }
0x14: {  	s21 =	sor.u32 @!p0 s22, s21  }
0x15: {  	s28 =	sshll.u32 s20, $0x1C;
	s23 =	simm.s32 @!p0 $0x400;
	s21 =	sshrl.u32 @!p0 s21, $0x3  }
0x16: {  	s24 =	simm.s32 @!p0 $0x0;
	s22 =	simm.s32 @!p0 $0x80;
	s21 =	sadd.s32 @!p0 s1, s21  }
0x17: {  	[tilespmem:s24], [sflag:$0x3] =	stream.strided.gather @!p0 [hbm4b:s21+s22], $0x4000, s23, s22, $0x38;
	[tilespmem:$0x1E700] =	vst v63  }
0x18: {  	s29 =	smul.u32 $0x187000, s19;
	s21 =	sshra.s32 s28, $0x1F  }
0x19: {  	s30 =	sshll.u32 s20, $0x7;
	s21 =	sand.u32 $0xC3800, s21  }
0x1a: {  	s24 =	simm.s32 @!p0 $0x3;
	s22 =	sadd.s32 s29, s21;
	s21 =	sand.u32 $0x380, s30  }
0x1b: {  	_ =	swait.ge @!p0 [sflag:s24], $0x4000;
	s22 =	sor.u32 s21, s22  }
0x1c: {  	[sflag:s24] =	ssyncset.done @!p0 $0x0;
	s22 =	sshrl.u32 s22, $0x3  }
0x1d: {  	s31 =	simm.s32 $0x80;
	[sflag:s24] =	ssyncadd.s32 @!p0 $0xFFFFC000;
	s22 =	sadd.s32 s2, s22  }
0x1e: {  	[tilespmem:s13], [sflag:$0x3] =	stream.strided.gather [hbm4b:s22+s31], $0x18700, s12, s31, $0x38;
	[tilespmem:$0x1E700] =	vst v63  }
0x1f: {  	_ =	swait.ge [sflag:s14], $0x18700  }
0x20: {  	[sflag:s14] =	ssyncset.done $0x0  }
0x21: {  	[sflag:s14] =	ssyncadd.s32 $0xFFFE7900  }
0x22: {  	v0 =	vld [tilespmem:s31+$0x70]  }
0x23: {  	v1 =	vld [tilespmem:s31+$0xFFFFFF90]  }
0x24: {  	v2 =	vld [tilespmem:s31+$0xFFFFFFA0]  }
0x25: {  	v3 =	vld [tilespmem:s31+$0xFFFFFFB0]  }
0x26: {  	v4 =	vld [tilespmem:s31+$0xFFFFFFC0]  }
0x27: {  	v5 =	vld [tilespmem:s31+$0xFFFFFFD0]  }
0x28: {  	v6 =	vld [tilespmem:s31+$0xFFFFFFE0]  }
0x29: {  	v7 =	vld [tilespmem:s31+$0xFFFFFFF0]  }
0x2a: {  	v8 =	vld [tilespmem:s31+$0x0]  }
0x2b: {  	v9 =	vld [tilespmem:s31+$0x10]  }
0x2c: {  	v10 =	vld [tilespmem:s31+$0x20]  }
0x2d: {  	v11 =	vld [tilespmem:s31+$0x30]  }
0x2e: {  	v12 =	vld [tilespmem:s31+$0x40]  }
0x2f: {  	v13 =	vld [tilespmem:s31+$0x50]  }
0x30: {  	v14 =	vld [tilespmem:s31+$0x60]  }
0x31: {  	v15 =	vld [tilespmem:s31+$0xFFFFFF80]  }
0x32: {  	v0 =	vld.idx.msk [tilespmem:v0+s13+$0x0], $0xffff  }
0x33: {  	v1 =	vld.idx.msk [tilespmem:v1+s13+$0x0], $0xffff  }
0x34: {  	v2 =	vld.idx.msk [tilespmem:v2+s13+$0x0], $0xffff  }
0x35: {  	v3 =	vld.idx.msk [tilespmem:v3+s13+$0x0], $0xffff  }
0x36: {  	v4 =	vld.idx.msk [tilespmem:v4+s13+$0x0], $0xffff  }
0x37: {  	s22 =	simm.s32 $0x1C800;
	v5 =	vld.idx.msk [tilespmem:v5+s13+$0x0], $0xffff  }
0x38: {  	v6 =	vld.idx.msk [tilespmem:v6+s13+$0x0], $0xffff;
	[tilespmem:s22+$0x70] =	vst v0  }
0x39: {  	v7 =	vld.idx.msk [tilespmem:v7+s13+$0x0], $0xffff;
	[tilespmem:s22+$0xFFFFFF10] =	vst v1  }
0x3a: {  	v15 =	vld.idx.msk [tilespmem:v15+s13+$0x0], $0xffff;
	[tilespmem:s22+$0xFFFFFF20] =	vst v2  }
0x3b: {  	v8 =	vld.idx.msk [tilespmem:v8+s13+$0x0], $0xffff;
	[tilespmem:s22+$0xFFFFFF30] =	vst v3  }
0x3c: {  	[tilespmem:s22+$0xFFFFFF40] =	vst v4;
	v0 =	vld.idx.msk [tilespmem:v9+s13+$0x0], $0xffff  }
0x3d: {  	[tilespmem:s22+$0xFFFFFF50] =	vst v5;
	v1 =	vld.idx.msk [tilespmem:v10+s13+$0x0], $0xffff  }
0x3e: {  	[tilespmem:s22+$0xFFFFFF60] =	vst v6;
	v2 =	vld.idx.msk [tilespmem:v11+s13+$0x0], $0xffff  }
0x3f: {  	[tilespmem:s22+$0xFFFFFF70] =	vst v7;
	v3 =	vld.idx.msk [tilespmem:v12+s13+$0x0], $0xffff  }
0x40: {  	[tilespmem:s22+$0xFFFFFF00] =	vst v15;
	v4 =	vld.idx.msk [tilespmem:v13+s13+$0x0], $0xffff  }
0x41: {  	s23 =	simm.s32 $0x0;
	s24 =	simm.s32 $0x180;
	[tilespmem:s22+$0x0] =	vst v8;
	v5 =	vld.idx.msk [tilespmem:v14+s13+$0x0], $0xffff  }
.LBB2_3:
0x42: {  	v6 =	vld [tilespmem:s24+$0x70];
	s23 =	sadd.s32 $0x10, s23;
	[tilespmem:s22+$0x10] =	vst v0  }
0x43: {  	v0 =	vld [tilespmem:s24+$0xFFFFFF90];
	p0 =	slt.u32 s23, $0xF0;
	[tilespmem:s22+$0x20] =	vst v1  }
0x44: {  	v1 =	vld [tilespmem:s24+$0xFFFFFFA0];
	[tilespmem:s22+$0x30] =	vst v2  }
0x45: {  	v2 =	vld [tilespmem:s24+$0xFFFFFFB0];
	[tilespmem:s22+$0x40] =	vst v3  }
0x46: {  	v3 =	vld [tilespmem:s24+$0xFFFFFFC0];
	[tilespmem:s22+$0x50] =	vst v4  }
0x47: {  	v4 =	vld [tilespmem:s24+$0xFFFFFFD0];
	[tilespmem:s22+$0x60] =	vst v5  }
0x48: {  	v5 =	vld [tilespmem:s24+$0xFFFFFFE0]  }
0x49: {  	v7 =	vld [tilespmem:s24+$0xFFFFFFF0]  }
0x4a: {  	v6 =	vld.idx.msk [tilespmem:v6+s13+$0x0], $0xffff  }
0x4b: {  	v8 =	vld [tilespmem:s24+$0x0]  }
0x4c: {  	v9 =	vld [tilespmem:s24+$0x10]  }
0x4d: {  	v10 =	vld [tilespmem:s24+$0x20]  }
0x4e: {  	v11 =	vld [tilespmem:s24+$0x30]  }
0x4f: {  	s22 =	sadd.s32 $0x200, s22;
	v12 =	vld [tilespmem:s24+$0x40]  }
0x50: {  	v13 =	vld [tilespmem:s24+$0x50];
	[tilespmem:s22+$0x70] =	vst v6  }
0x51: {  	v6 =	vld [tilespmem:s24+$0x60]  }
0x52: {  	v14 =	vld [tilespmem:s24+$0xFFFFFF80]  }
0x53: {  	v0 =	vld.idx.msk [tilespmem:v0+s13+$0x0], $0xffff  }
0x54: {  	v1 =	vld.idx.msk [tilespmem:v1+s13+$0x0], $0xffff  }
0x55: {  	v2 =	vld.idx.msk [tilespmem:v2+s13+$0x0], $0xffff  }
0x56: {  	v3 =	vld.idx.msk [tilespmem:v3+s13+$0x0], $0xffff  }
0x57: {  	v4 =	vld.idx.msk [tilespmem:v4+s13+$0x0], $0xffff  }
0x58: {  	v5 =	vld.idx.msk [tilespmem:v5+s13+$0x0], $0xffff  }
0x59: {  	[tilespmem:s22+$0xFFFFFF10] =	vst v0;
	v7 =	vld.idx.msk [tilespmem:v7+s13+$0x0], $0xffff  }
0x5a: {  	v14 =	vld.idx.msk [tilespmem:v14+s13+$0x0], $0xffff;
	[tilespmem:s22+$0xFFFFFF20] =	vst v1  }
0x5b: {  	[tilespmem:s22+$0xFFFFFF30] =	vst v2;
	v8 =	vld.idx.msk [tilespmem:v8+s13+$0x0], $0xffff  }
0x5c: {  	[tilespmem:s22+$0xFFFFFF40] =	vst v3;
	v0 =	vld.idx.msk [tilespmem:v9+s13+$0x0], $0xffff  }
.Ltmp0:
0x5d: {  	[tilespmem:s22+$0xFFFFFF50] =	vst v4;
	v1 =	vld.idx.msk [tilespmem:v10+s13+$0x0], $0xffff;
	(pc) =	sbr.rel @p0 .LBB2_3-.Ltmp0, $4  }
0x5e: {  	[tilespmem:s22+$0xFFFFFF60] =	vst v5;
	v2 =	vld.idx.msk [tilespmem:v11+s13+$0x0], $0xffff  }
0x5f: {  	[tilespmem:s22+$0xFFFFFF70] =	vst v7;
	v3 =	vld.idx.msk [tilespmem:v12+s13+$0x0], $0xffff  }
0x60: {  	[tilespmem:s22+$0xFFFFFF00] =	vst v14;
	v4 =	vld.idx.msk [tilespmem:v13+s13+$0x0], $0xffff  }
0x61: {  	s24 =	sadd.s32 $0x100, s24;
	[tilespmem:s22+$0x0] =	vst v8;
	v5 =	vld.idx.msk [tilespmem:v6+s13+$0x0], $0xffff  }
0x62: {  	[tilespmem:s22+$0x10] =	vst v0  }
0x63: {  	[tilespmem:s22+$0x20] =	vst v1;
	s20 =	sshll.u32 s20, $0xE  }
0x64: {  	[tilespmem:s22+$0x30] =	vst v2;
	s20 =	sand.u32 $0xFFFE0000, s20  }
0x65: {  	[tilespmem:s22+$0x40] =	vst v3;
	s20 =	sor.u32 s21, s20  }
0x66: {  	[tilespmem:s22+$0x50] =	vst v4;
	s20 =	sshrl.u32 s20, $0x3  }
0x67: {  	s23 =	simm.s32 $0x1C700;
	[tilespmem:s22+$0x60] =	vst v5;
	s21 =	sadd.s32 s5, s20;
	s22 =	simm.s32 $0x0  }
.LBB2_5:
0x68: {  	p0 =	sne.s32 s22, $0xF80  }
.Ltmp1:
0x69: {  	_ = 	snop;
	(pc) =	sbr.rel @p0 .LBB2_5-.Ltmp1, $4  }
0x6a: {  	_ = 	snop  }
0x6b: {  	s24 =	sadd.s32 s22, s21  }
0x6c: {  	[hbm4b:s24+s4] =	stream.linear.scatter [tilespmem:s23], [sflag:$0x1], $0x80, $0x38;
	[tilespmem:$0x1E700] =	vst v63  }
0x6d: {  	s22 =	sadd.s32 $0x80, s22;
	s23 =	sadd.s32 $0x100, s23  }
0x6e: {  	s21 =	simm.s32 $0x10F0  }
0x6f: {  	v0 =	vld [tilespmem:s21+$0x0]  }
0x70: {  	v1 =	vld [tilespmem:s21+$0xFFFFFF20]  }
0x71: {  	v2 =	vld [tilespmem:s21+$0xFFFFFF30]  }
0x72: {  	v3 =	vld [tilespmem:s21+$0xFFFFFF40]  }
0x73: {  	v4 =	vld [tilespmem:s21+$0xFFFFFF50]  }
0x74: {  	v5 =	vld [tilespmem:s21+$0xFFFFFF60]  }
0x75: {  	v6 =	vld [tilespmem:s21+$0xFFFFFF70]  }
0x76: {  	v7 =	vld [tilespmem:s21+$0xFFFFFF80]  }
0x77: {  	v8 =	vld [tilespmem:s21+$0xFFFFFF90]  }
0x78: {  	v9 =	vld [tilespmem:s21+$0xFFFFFFA0]  }
0x79: {  	v10 =	vld [tilespmem:s21+$0xFFFFFFB0]  }
0x7a: {  	v11 =	vld [tilespmem:s21+$0xFFFFFFC0]  }
0x7b: {  	v12 =	vld [tilespmem:s21+$0xFFFFFFD0]  }
0x7c: {  	v13 =	vld [tilespmem:s21+$0xFFFFFFE0]  }
0x7d: {  	v14 =	vld [tilespmem:s21+$0xFFFFFFF0]  }
0x7e: {  	v15 =	vld [tilespmem:s21+$0xFFFFFF10]  }
0x7f: {  	v0 =	vld.idx.msk [tilespmem:v0+s13+$0x0], $0xffff  }
0x80: {  	v1 =	vld.idx.msk [tilespmem:v1+s13+$0x0], $0xffff  }
0x81: {  	v2 =	vld.idx.msk [tilespmem:v2+s13+$0x0], $0xffff  }
0x82: {  	v3 =	vld.idx.msk [tilespmem:v3+s13+$0x0], $0xffff  }
0x83: {  	v4 =	vld.idx.msk [tilespmem:v4+s13+$0x0], $0xffff  }
0x84: {  	s21 =	simm.s32 $0x1C880;
	v5 =	vld.idx.msk [tilespmem:v5+s13+$0x0], $0xffff  }
0x85: {  	v6 =	vld.idx.msk [tilespmem:v6+s13+$0x0], $0xffff;
	[tilespmem:s21+$0x70] =	vst v0  }
0x86: {  	v7 =	vld.idx.msk [tilespmem:v7+s13+$0x0], $0xffff;
	[tilespmem:s21+$0xFFFFFF10] =	vst v1  }
0x87: {  	v15 =	vld.idx.msk [tilespmem:v15+s13+$0x0], $0xffff;
	[tilespmem:s21+$0xFFFFFF20] =	vst v2  }
0x88: {  	v8 =	vld.idx.msk [tilespmem:v8+s13+$0x0], $0xffff;
	[tilespmem:s21+$0xFFFFFF30] =	vst v3  }
0x89: {  	[tilespmem:s21+$0xFFFFFF40] =	vst v4;
	v0 =	vld.idx.msk [tilespmem:v9+s13+$0x0], $0xffff  }
0x8a: {  	[tilespmem:s21+$0xFFFFFF50] =	vst v5;
	v1 =	vld.idx.msk [tilespmem:v10+s13+$0x0], $0xffff  }
0x8b: {  	[tilespmem:s21+$0xFFFFFF60] =	vst v6;
	v2 =	vld.idx.msk [tilespmem:v11+s13+$0x0], $0xffff  }
0x8c: {  	[tilespmem:s21+$0xFFFFFF70] =	vst v7;
	v3 =	vld.idx.msk [tilespmem:v12+s13+$0x0], $0xffff  }
0x8d: {  	[tilespmem:s21+$0xFFFFFF00] =	vst v15;
	v4 =	vld.idx.msk [tilespmem:v13+s13+$0x0], $0xffff  }
0x8e: {  	s22 =	simm.s32 $0x0;
	s23 =	simm.s32 $0x11F0;
	[tilespmem:s21+$0x0] =	vst v8;
	v5 =	vld.idx.msk [tilespmem:v14+s13+$0x0], $0xffff  }
.LBB2_7:
0x8f: {  	v6 =	vld [tilespmem:s23+$0x0];
	s22 =	sadd.s32 $0x10, s22;
	[tilespmem:s21+$0x10] =	vst v0  }
0x90: {  	v0 =	vld [tilespmem:s23+$0xFFFFFF20];
	p0 =	slt.u32 s22, $0xF0;
	[tilespmem:s21+$0x20] =	vst v1  }
0x91: {  	v1 =	vld [tilespmem:s23+$0xFFFFFF30];
	[tilespmem:s21+$0x30] =	vst v2  }
0x92: {  	v2 =	vld [tilespmem:s23+$0xFFFFFF40];
	[tilespmem:s21+$0x40] =	vst v3  }
0x93: {  	v3 =	vld [tilespmem:s23+$0xFFFFFF50];
	[tilespmem:s21+$0x50] =	vst v4  }
0x94: {  	v4 =	vld [tilespmem:s23+$0xFFFFFF60];
	[tilespmem:s21+$0x60] =	vst v5  }
0x95: {  	v5 =	vld [tilespmem:s23+$0xFFFFFF70]  }
0x96: {  	v7 =	vld [tilespmem:s23+$0xFFFFFF80]  }
0x97: {  	v6 =	vld.idx.msk [tilespmem:v6+s13+$0x0], $0xffff  }
0x98: {  	v8 =	vld [tilespmem:s23+$0xFFFFFF90]  }
0x99: {  	v9 =	vld [tilespmem:s23+$0xFFFFFFA0]  }
0x9a: {  	v10 =	vld [tilespmem:s23+$0xFFFFFFB0]  }
0x9b: {  	v11 =	vld [tilespmem:s23+$0xFFFFFFC0]  }
0x9c: {  	s21 =	sadd.s32 $0x200, s21;
	v12 =	vld [tilespmem:s23+$0xFFFFFFD0]  }
0x9d: {  	v13 =	vld [tilespmem:s23+$0xFFFFFFE0];
	[tilespmem:s21+$0x70] =	vst v6  }
0x9e: {  	v6 =	vld [tilespmem:s23+$0xFFFFFFF0]  }
0x9f: {  	v14 =	vld [tilespmem:s23+$0xFFFFFF10]  }
0xa0: {  	v0 =	vld.idx.msk [tilespmem:v0+s13+$0x0], $0xffff  }
0xa1: {  	v1 =	vld.idx.msk [tilespmem:v1+s13+$0x0], $0xffff  }
0xa2: {  	v2 =	vld.idx.msk [tilespmem:v2+s13+$0x0], $0xffff  }
0xa3: {  	v3 =	vld.idx.msk [tilespmem:v3+s13+$0x0], $0xffff  }
0xa4: {  	v4 =	vld.idx.msk [tilespmem:v4+s13+$0x0], $0xffff  }
0xa5: {  	v5 =	vld.idx.msk [tilespmem:v5+s13+$0x0], $0xffff  }
0xa6: {  	[tilespmem:s21+$0xFFFFFF10] =	vst v0;
	v7 =	vld.idx.msk [tilespmem:v7+s13+$0x0], $0xffff  }
0xa7: {  	v14 =	vld.idx.msk [tilespmem:v14+s13+$0x0], $0xffff;
	[tilespmem:s21+$0xFFFFFF20] =	vst v1  }
0xa8: {  	[tilespmem:s21+$0xFFFFFF30] =	vst v2;
	v8 =	vld.idx.msk [tilespmem:v8+s13+$0x0], $0xffff  }
0xa9: {  	[tilespmem:s21+$0xFFFFFF40] =	vst v3;
	v0 =	vld.idx.msk [tilespmem:v9+s13+$0x0], $0xffff  }
.Ltmp2:
0xaa: {  	[tilespmem:s21+$0xFFFFFF50] =	vst v4;
	v1 =	vld.idx.msk [tilespmem:v10+s13+$0x0], $0xffff;
	(pc) =	sbr.rel @p0 .LBB2_7-.Ltmp2, $4  }
0xab: {  	[tilespmem:s21+$0xFFFFFF60] =	vst v5;
	v2 =	vld.idx.msk [tilespmem:v11+s13+$0x0], $0xffff  }
0xac: {  	[tilespmem:s21+$0xFFFFFF70] =	vst v7;
	v3 =	vld.idx.msk [tilespmem:v12+s13+$0x0], $0xffff  }
0xad: {  	[tilespmem:s21+$0xFFFFFF00] =	vst v14;
	v4 =	vld.idx.msk [tilespmem:v13+s13+$0x0], $0xffff  }
0xae: {  	s23 =	sadd.s32 $0x100, s23;
	[tilespmem:s21+$0x0] =	vst v8;
	v5 =	vld.idx.msk [tilespmem:v6+s13+$0x0], $0xffff  }
0xaf: {  	[tilespmem:s21+$0x10] =	vst v0  }
0xb0: {  	[tilespmem:s21+$0x20] =	vst v1  }
0xb1: {  	[tilespmem:s21+$0x30] =	vst v2  }
0xb2: {  	[tilespmem:s21+$0x40] =	vst v3  }
0xb3: {  	s22 =	sadd.s32 s20, s8;
	s23 =	simm.s32 $0x1C780;
	[tilespmem:s21+$0x50] =	vst v4  }
0xb4: {  	s24 =	simm.s32 $0x1C880;
	s25 =	sadd.s32 $0x0, s22;
	[tilespmem:s21+$0x60] =	vst v5;
	s21 =	simm.s32 $0x80  }
.LBB2_9:
0xb5: {  	[hbm4b:s25+s4] =	stream.linear.scatter [tilespmem:s23], [sflag:$0x2], $0x80, $0x38;
	[tilespmem:$0x1E700] =	vst v63  }
0xb6: {  	s25 =	smov.u32 s21;
	s23 =	smov.u32 s24;
	p0 =	sne.s32 s21, $0xF80  }
.Ltmp3:
0xb7: {  	s21 =	sadd.s32 $0x80, s21;
	(pc) =	sbr.rel @p0 .LBB2_9-.Ltmp3, $2  }
0xb8: {  	_ =	sdelay $0x2  }
0xb9: {  	s24 =	sadd.s32 $0x100, s24;
	s25 =	sadd.s32 s25, s22  }
0xba: {  	[hbm4b:s25+s4] =	stream.linear.scatter [tilespmem:s23], [sflag:$0x2], $0x80, $0x38;
	[tilespmem:$0x1E700] =	vst v63  }
0xbb: {  	_ =	swait.ge [sflag:s15], $0x1000  }
0xbc: {  	[sflag:s15] =	ssyncset.done $0x0  }
0xbd: {  	s21 =	simm.s32 $0x20F0;
	[sflag:s15] =	ssyncadd.s32 $0xFFFFF000  }
0xbe: {  	v0 =	vld [tilespmem:s21+$0x0]  }
0xbf: {  	v1 =	vld [tilespmem:s21+$0xFFFFFF20]  }
0xc0: {  	v2 =	vld [tilespmem:s21+$0xFFFFFF30]  }
0xc1: {  	v3 =	vld [tilespmem:s21+$0xFFFFFF40]  }
0xc2: {  	v4 =	vld [tilespmem:s21+$0xFFFFFF50]  }
0xc3: {  	v5 =	vld [tilespmem:s21+$0xFFFFFF60]  }
0xc4: {  	v6 =	vld [tilespmem:s21+$0xFFFFFF70]  }
0xc5: {  	v7 =	vld [tilespmem:s21+$0xFFFFFF80]  }
0xc6: {  	v8 =	vld [tilespmem:s21+$0xFFFFFF90]  }
0xc7: {  	v9 =	vld [tilespmem:s21+$0xFFFFFFA0]  }
0xc8: {  	v10 =	vld [tilespmem:s21+$0xFFFFFFB0]  }
0xc9: {  	v11 =	vld [tilespmem:s21+$0xFFFFFFC0]  }
0xca: {  	v12 =	vld [tilespmem:s21+$0xFFFFFFD0]  }
0xcb: {  	v13 =	vld [tilespmem:s21+$0xFFFFFFE0]  }
0xcc: {  	v14 =	vld [tilespmem:s21+$0xFFFFFFF0]  }
0xcd: {  	v15 =	vld [tilespmem:s21+$0xFFFFFF10]  }
0xce: {  	v0 =	vld.idx.msk [tilespmem:v0+s13+$0x0], $0xffff  }
0xcf: {  	v1 =	vld.idx.msk [tilespmem:v1+s13+$0x0], $0xffff  }
0xd0: {  	v2 =	vld.idx.msk [tilespmem:v2+s13+$0x0], $0xffff  }
0xd1: {  	v3 =	vld.idx.msk [tilespmem:v3+s13+$0x0], $0xffff  }
0xd2: {  	v4 =	vld.idx.msk [tilespmem:v4+s13+$0x0], $0xffff  }
0xd3: {  	s21 =	simm.s32 $0x1C800;
	v5 =	vld.idx.msk [tilespmem:v5+s13+$0x0], $0xffff  }
0xd4: {  	v6 =	vld.idx.msk [tilespmem:v6+s13+$0x0], $0xffff;
	[tilespmem:s21+$0x70] =	vst v0  }
0xd5: {  	v7 =	vld.idx.msk [tilespmem:v7+s13+$0x0], $0xffff;
	[tilespmem:s21+$0xFFFFFF10] =	vst v1  }
0xd6: {  	v15 =	vld.idx.msk [tilespmem:v15+s13+$0x0], $0xffff;
	[tilespmem:s21+$0xFFFFFF20] =	vst v2  }
0xd7: {  	v8 =	vld.idx.msk [tilespmem:v8+s13+$0x0], $0xffff;
	[tilespmem:s21+$0xFFFFFF30] =	vst v3  }
0xd8: {  	[tilespmem:s21+$0xFFFFFF40] =	vst v4;
	v0 =	vld.idx.msk [tilespmem:v9+s13+$0x0], $0xffff  }
0xd9: {  	[tilespmem:s21+$0xFFFFFF50] =	vst v5;
	v1 =	vld.idx.msk [tilespmem:v10+s13+$0x0], $0xffff  }
0xda: {  	[tilespmem:s21+$0xFFFFFF60] =	vst v6;
	v2 =	vld.idx.msk [tilespmem:v11+s13+$0x0], $0xffff  }
0xdb: {  	[tilespmem:s21+$0xFFFFFF70] =	vst v7;
	v3 =	vld.idx.msk [tilespmem:v12+s13+$0x0], $0xffff  }
0xdc: {  	[tilespmem:s21+$0xFFFFFF00] =	vst v15;
	v4 =	vld.idx.msk [tilespmem:v13+s13+$0x0], $0xffff  }
0xdd: {  	s22 =	simm.s32 $0x0;
	s23 =	simm.s32 $0x21F0;
	[tilespmem:s21+$0x0] =	vst v8;
	v5 =	vld.idx.msk [tilespmem:v14+s13+$0x0], $0xffff  }
.LBB2_11:
0xde: {  	v6 =	vld [tilespmem:s23+$0x0];
	s22 =	sadd.s32 $0x10, s22;
	[tilespmem:s21+$0x10] =	vst v0  }
0xdf: {  	v0 =	vld [tilespmem:s23+$0xFFFFFF20];
	p0 =	slt.u32 s22, $0xF0;
	[tilespmem:s21+$0x20] =	vst v1  }
0xe0: {  	v1 =	vld [tilespmem:s23+$0xFFFFFF30];
	[tilespmem:s21+$0x30] =	vst v2  }
0xe1: {  	v2 =	vld [tilespmem:s23+$0xFFFFFF40];
	[tilespmem:s21+$0x40] =	vst v3  }
0xe2: {  	v3 =	vld [tilespmem:s23+$0xFFFFFF50];
	[tilespmem:s21+$0x50] =	vst v4  }
0xe3: {  	v4 =	vld [tilespmem:s23+$0xFFFFFF60];
	[tilespmem:s21+$0x60] =	vst v5  }
0xe4: {  	v5 =	vld [tilespmem:s23+$0xFFFFFF70]  }
0xe5: {  	v7 =	vld [tilespmem:s23+$0xFFFFFF80]  }
0xe6: {  	v6 =	vld.idx.msk [tilespmem:v6+s13+$0x0], $0xffff  }
0xe7: {  	v8 =	vld [tilespmem:s23+$0xFFFFFF90]  }
0xe8: {  	v9 =	vld [tilespmem:s23+$0xFFFFFFA0]  }
0xe9: {  	v10 =	vld [tilespmem:s23+$0xFFFFFFB0]  }
0xea: {  	v11 =	vld [tilespmem:s23+$0xFFFFFFC0]  }
0xeb: {  	s21 =	sadd.s32 $0x200, s21;
	v12 =	vld [tilespmem:s23+$0xFFFFFFD0]  }
0xec: {  	v13 =	vld [tilespmem:s23+$0xFFFFFFE0];
	[tilespmem:s21+$0x70] =	vst v6  }
0xed: {  	v6 =	vld [tilespmem:s23+$0xFFFFFFF0]  }
0xee: {  	v14 =	vld [tilespmem:s23+$0xFFFFFF10]  }
0xef: {  	v0 =	vld.idx.msk [tilespmem:v0+s13+$0x0], $0xffff  }
0xf0: {  	v1 =	vld.idx.msk [tilespmem:v1+s13+$0x0], $0xffff  }
0xf1: {  	v2 =	vld.idx.msk [tilespmem:v2+s13+$0x0], $0xffff  }
0xf2: {  	v3 =	vld.idx.msk [tilespmem:v3+s13+$0x0], $0xffff  }
0xf3: {  	v4 =	vld.idx.msk [tilespmem:v4+s13+$0x0], $0xffff  }
0xf4: {  	v5 =	vld.idx.msk [tilespmem:v5+s13+$0x0], $0xffff  }
0xf5: {  	[tilespmem:s21+$0xFFFFFF10] =	vst v0;
	v7 =	vld.idx.msk [tilespmem:v7+s13+$0x0], $0xffff  }
0xf6: {  	v14 =	vld.idx.msk [tilespmem:v14+s13+$0x0], $0xffff;
	[tilespmem:s21+$0xFFFFFF20] =	vst v1  }
0xf7: {  	[tilespmem:s21+$0xFFFFFF30] =	vst v2;
	v8 =	vld.idx.msk [tilespmem:v8+s13+$0x0], $0xffff  }
0xf8: {  	[tilespmem:s21+$0xFFFFFF40] =	vst v3;
	v0 =	vld.idx.msk [tilespmem:v9+s13+$0x0], $0xffff  }
.Ltmp4:
0xf9: {  	[tilespmem:s21+$0xFFFFFF50] =	vst v4;
	v1 =	vld.idx.msk [tilespmem:v10+s13+$0x0], $0xffff;
	(pc) =	sbr.rel @p0 .LBB2_11-.Ltmp4, $4  }
0xfa: {  	[tilespmem:s21+$0xFFFFFF60] =	vst v5;
	v2 =	vld.idx.msk [tilespmem:v11+s13+$0x0], $0xffff  }
0xfb: {  	[tilespmem:s21+$0xFFFFFF70] =	vst v7;
	v3 =	vld.idx.msk [tilespmem:v12+s13+$0x0], $0xffff  }
0xfc: {  	[tilespmem:s21+$0xFFFFFF00] =	vst v14;
	v4 =	vld.idx.msk [tilespmem:v13+s13+$0x0], $0xffff  }
0xfd: {  	s23 =	sadd.s32 $0x100, s23;
	[tilespmem:s21+$0x0] =	vst v8;
	v5 =	vld.idx.msk [tilespmem:v6+s13+$0x0], $0xffff  }
0xfe: {  	[tilespmem:s21+$0x10] =	vst v0  }
0xff: {  	[tilespmem:s21+$0x20] =	vst v1  }
0x100: {  	[tilespmem:s21+$0x30] =	vst v2  }
0x101: {  	[tilespmem:s21+$0x40] =	vst v3  }
0x102: {  	s22 =	sadd.s32 s20, s9;
	s23 =	simm.s32 $0x1C700;
	[tilespmem:s21+$0x50] =	vst v4  }
0x103: {  	s24 =	simm.s32 $0x1C800;
	s25 =	sadd.s32 $0x0, s22;
	[tilespmem:s21+$0x60] =	vst v5;
	s21 =	simm.s32 $0x80  }
.LBB2_13:
0x104: {  	[hbm4b:s25+s4] =	stream.linear.scatter [tilespmem:s23], [sflag:$0x1], $0x80, $0x38;
	[tilespmem:$0x1E700] =	vst v63  }
0x105: {  	s25 =	smov.u32 s21;
	s23 =	smov.u32 s24;
	p0 =	sne.s32 s21, $0xF80  }
.Ltmp5:
0x106: {  	s21 =	sadd.s32 $0x80, s21;
	(pc) =	sbr.rel @p0 .LBB2_13-.Ltmp5, $2  }
0x107: {  	_ =	sdelay $0x2  }
0x108: {  	s24 =	sadd.s32 $0x100, s24;
	s25 =	sadd.s32 s25, s22  }
0x109: {  	[hbm4b:s25+s4] =	stream.linear.scatter [tilespmem:s23], [sflag:$0x1], $0x80, $0x38;
	[tilespmem:$0x1E700] =	vst v63  }
0x10a: {  	_ =	swait.ge [sflag:s16], $0x1000  }
0x10b: {  	[sflag:s16] =	ssyncset.done $0x0  }
0x10c: {  	s21 =	simm.s32 $0x30F0;
	[sflag:s16] =	ssyncadd.s32 $0xFFFFF000  }
0x10d: {  	v0 =	vld [tilespmem:s21+$0x0]  }
0x10e: {  	v1 =	vld [tilespmem:s21+$0xFFFFFF20]  }
0x10f: {  	v2 =	vld [tilespmem:s21+$0xFFFFFF30]  }
0x110: {  	v3 =	vld [tilespmem:s21+$0xFFFFFF40]  }
0x111: {  	v4 =	vld [tilespmem:s21+$0xFFFFFF50]  }
0x112: {  	v5 =	vld [tilespmem:s21+$0xFFFFFF60]  }
0x113: {  	v6 =	vld [tilespmem:s21+$0xFFFFFF70]  }
0x114: {  	v7 =	vld [tilespmem:s21+$0xFFFFFF80]  }
0x115: {  	v8 =	vld [tilespmem:s21+$0xFFFFFF90]  }
0x116: {  	v9 =	vld [tilespmem:s21+$0xFFFFFFA0]  }
0x117: {  	v10 =	vld [tilespmem:s21+$0xFFFFFFB0]  }
0x118: {  	v11 =	vld [tilespmem:s21+$0xFFFFFFC0]  }
0x119: {  	v12 =	vld [tilespmem:s21+$0xFFFFFFD0]  }
0x11a: {  	v13 =	vld [tilespmem:s21+$0xFFFFFFE0]  }
0x11b: {  	v14 =	vld [tilespmem:s21+$0xFFFFFFF0]  }
0x11c: {  	v15 =	vld [tilespmem:s21+$0xFFFFFF10]  }
0x11d: {  	v0 =	vld.idx.msk [tilespmem:v0+s13+$0x0], $0xffff  }
0x11e: {  	v1 =	vld.idx.msk [tilespmem:v1+s13+$0x0], $0xffff  }
0x11f: {  	v2 =	vld.idx.msk [tilespmem:v2+s13+$0x0], $0xffff  }
0x120: {  	v3 =	vld.idx.msk [tilespmem:v3+s13+$0x0], $0xffff  }
0x121: {  	v4 =	vld.idx.msk [tilespmem:v4+s13+$0x0], $0xffff  }
0x122: {  	s21 =	simm.s32 $0x1C880;
	v5 =	vld.idx.msk [tilespmem:v5+s13+$0x0], $0xffff  }
0x123: {  	v6 =	vld.idx.msk [tilespmem:v6+s13+$0x0], $0xffff;
	[tilespmem:s21+$0x70] =	vst v0  }
0x124: {  	v7 =	vld.idx.msk [tilespmem:v7+s13+$0x0], $0xffff;
	[tilespmem:s21+$0xFFFFFF10] =	vst v1  }
0x125: {  	v15 =	vld.idx.msk [tilespmem:v15+s13+$0x0], $0xffff;
	[tilespmem:s21+$0xFFFFFF20] =	vst v2  }
0x126: {  	v8 =	vld.idx.msk [tilespmem:v8+s13+$0x0], $0xffff;
	[tilespmem:s21+$0xFFFFFF30] =	vst v3  }
0x127: {  	[tilespmem:s21+$0xFFFFFF40] =	vst v4;
	v0 =	vld.idx.msk [tilespmem:v9+s13+$0x0], $0xffff  }
0x128: {  	[tilespmem:s21+$0xFFFFFF50] =	vst v5;
	v1 =	vld.idx.msk [tilespmem:v10+s13+$0x0], $0xffff  }
0x129: {  	[tilespmem:s21+$0xFFFFFF60] =	vst v6;
	v2 =	vld.idx.msk [tilespmem:v11+s13+$0x0], $0xffff  }
0x12a: {  	[tilespmem:s21+$0xFFFFFF70] =	vst v7;
	v3 =	vld.idx.msk [tilespmem:v12+s13+$0x0], $0xffff  }
0x12b: {  	[tilespmem:s21+$0xFFFFFF00] =	vst v15;
	v4 =	vld.idx.msk [tilespmem:v13+s13+$0x0], $0xffff  }
0x12c: {  	s22 =	simm.s32 $0x0;
	s23 =	simm.s32 $0x31F0;
	[tilespmem:s21+$0x0] =	vst v8;
	v5 =	vld.idx.msk [tilespmem:v14+s13+$0x0], $0xffff  }
.LBB2_15:
0x12d: {  	v6 =	vld [tilespmem:s23+$0x0];
	s22 =	sadd.s32 $0x10, s22;
	[tilespmem:s21+$0x10] =	vst v0  }
0x12e: {  	v0 =	vld [tilespmem:s23+$0xFFFFFF20];
	p0 =	slt.u32 s22, $0xF0;
	[tilespmem:s21+$0x20] =	vst v1  }
0x12f: {  	v1 =	vld [tilespmem:s23+$0xFFFFFF30];
	[tilespmem:s21+$0x30] =	vst v2  }
0x130: {  	v2 =	vld [tilespmem:s23+$0xFFFFFF40];
	[tilespmem:s21+$0x40] =	vst v3  }
0x131: {  	v3 =	vld [tilespmem:s23+$0xFFFFFF50];
	[tilespmem:s21+$0x50] =	vst v4  }
0x132: {  	v4 =	vld [tilespmem:s23+$0xFFFFFF60];
	[tilespmem:s21+$0x60] =	vst v5  }
0x133: {  	v5 =	vld [tilespmem:s23+$0xFFFFFF70]  }
0x134: {  	v7 =	vld [tilespmem:s23+$0xFFFFFF80]  }
0x135: {  	v6 =	vld.idx.msk [tilespmem:v6+s13+$0x0], $0xffff  }
0x136: {  	v8 =	vld [tilespmem:s23+$0xFFFFFF90]  }
0x137: {  	v9 =	vld [tilespmem:s23+$0xFFFFFFA0]  }
0x138: {  	v10 =	vld [tilespmem:s23+$0xFFFFFFB0]  }
0x139: {  	v11 =	vld [tilespmem:s23+$0xFFFFFFC0]  }
0x13a: {  	s21 =	sadd.s32 $0x200, s21;
	v12 =	vld [tilespmem:s23+$0xFFFFFFD0]  }
0x13b: {  	v13 =	vld [tilespmem:s23+$0xFFFFFFE0];
	[tilespmem:s21+$0x70] =	vst v6  }
0x13c: {  	v6 =	vld [tilespmem:s23+$0xFFFFFFF0]  }
0x13d: {  	v14 =	vld [tilespmem:s23+$0xFFFFFF10]  }
0x13e: {  	v0 =	vld.idx.msk [tilespmem:v0+s13+$0x0], $0xffff  }
0x13f: {  	v1 =	vld.idx.msk [tilespmem:v1+s13+$0x0], $0xffff  }
0x140: {  	v2 =	vld.idx.msk [tilespmem:v2+s13+$0x0], $0xffff  }
0x141: {  	v3 =	vld.idx.msk [tilespmem:v3+s13+$0x0], $0xffff  }
0x142: {  	v4 =	vld.idx.msk [tilespmem:v4+s13+$0x0], $0xffff  }
0x143: {  	v5 =	vld.idx.msk [tilespmem:v5+s13+$0x0], $0xffff  }
0x144: {  	[tilespmem:s21+$0xFFFFFF10] =	vst v0;
	v7 =	vld.idx.msk [tilespmem:v7+s13+$0x0], $0xffff  }
0x145: {  	v14 =	vld.idx.msk [tilespmem:v14+s13+$0x0], $0xffff;
	[tilespmem:s21+$0xFFFFFF20] =	vst v1  }
0x146: {  	[tilespmem:s21+$0xFFFFFF30] =	vst v2;
	v8 =	vld.idx.msk [tilespmem:v8+s13+$0x0], $0xffff  }
0x147: {  	[tilespmem:s21+$0xFFFFFF40] =	vst v3;
	v0 =	vld.idx.msk [tilespmem:v9+s13+$0x0], $0xffff  }
.Ltmp6:
0x148: {  	[tilespmem:s21+$0xFFFFFF50] =	vst v4;
	v1 =	vld.idx.msk [tilespmem:v10+s13+$0x0], $0xffff;
	(pc) =	sbr.rel @p0 .LBB2_15-.Ltmp6, $4  }
0x149: {  	[tilespmem:s21+$0xFFFFFF60] =	vst v5;
	v2 =	vld.idx.msk [tilespmem:v11+s13+$0x0], $0xffff  }
0x14a: {  	[tilespmem:s21+$0xFFFFFF70] =	vst v7;
	v3 =	vld.idx.msk [tilespmem:v12+s13+$0x0], $0xffff  }
0x14b: {  	[tilespmem:s21+$0xFFFFFF00] =	vst v14;
	v4 =	vld.idx.msk [tilespmem:v13+s13+$0x0], $0xffff  }
0x14c: {  	s23 =	sadd.s32 $0x100, s23;
	[tilespmem:s21+$0x0] =	vst v8;
	v5 =	vld.idx.msk [tilespmem:v6+s13+$0x0], $0xffff  }
0x14d: {  	[tilespmem:s21+$0x10] =	vst v0  }
0x14e: {  	[tilespmem:s21+$0x20] =	vst v1  }
0x14f: {  	[tilespmem:s21+$0x30] =	vst v2  }
0x150: {  	[tilespmem:s21+$0x40] =	vst v3  }
0x151: {  	s20 =	sadd.s32 s20, s10;
	s22 =	simm.s32 $0x1C780;
	[tilespmem:s21+$0x50] =	vst v4  }
0x152: {  	s23 =	simm.s32 $0x1C880;
	s24 =	sadd.s32 $0x0, s20;
	[tilespmem:s21+$0x60] =	vst v5;
	s21 =	simm.s32 $0x80  }
.LBB2_17:
0x153: {  	[hbm4b:s24+s4] =	stream.linear.scatter [tilespmem:s22], [sflag:$0x2], $0x80, $0x38;
	[tilespmem:$0x1E700] =	vst v63  }
0x154: {  	s24 =	smov.u32 s21;
	s22 =	smov.u32 s23;
	p0 =	sne.s32 s21, $0xF80  }
.Ltmp7:
0x155: {  	s21 =	sadd.s32 $0x80, s21;
	(pc) =	sbr.rel @p0 .LBB2_17-.Ltmp7, $2  }
0x156: {  	_ =	sdelay $0x2  }
0x157: {  	s23 =	sadd.s32 $0x100, s23;
	s24 =	sadd.s32 s24, s20  }
0x158: {  	[hbm4b:s24+s4] =	stream.linear.scatter [tilespmem:s22], [sflag:$0x2], $0x80, $0x38;
	[tilespmem:$0x1E700] =	vst v63  }
0x159: {  	s18 =	sadd.s32 $0x1, s18  }
0x15a: {  	_ =	swait.ge [sflag:s15], $0x1000;
	p0 =	sne.s32 s18, s6  }
.Ltmp8:
0x15b: {  	[sflag:s15] =	ssyncset.done $0x0;
	(pc) =	sbr.rel @p0 .LBB2_2-.Ltmp8, $4  }
0x15c: {  	[sflag:s15] =	ssyncadd.s32 $0xFFFFF000  }
0x15d: {  	_ =	swait.ge [sflag:s16], $0x1000  }
0x15e: {  	[sflag:s16] =	ssyncset.done $0x0  }
0x15f: {  	[sflag:s16] =	ssyncadd.s32 $0xFFFFF000  }
0x160: {  	s17 =	sadd.s32 $0x1, s17  }
0x161: {  	p0 =	sne.s32 s17, s11  }
.Ltmp9:
0x162: {  	_ = 	snop;
	(pc) =	sbr.rel @p0 .LBB2_1-.Ltmp9, $1  }
0x163: {  	_ =	sdelay $0x3  }
0x164: {  	_ =	sfence.sel $0x180000  }
0x165: {  	[bflag:$0x0] =	sbarrier.arrive $0xFFFF  }
0x166: {  	p0 =	sne.s32 s3, $0x0;
	_ =	strace $0x90000047  }
0x167: {  	s0 =	sadd.s32 @!p0 $0x100000, s0;
	[bflag:$0x2] =	sbarrier.arrive $0xFFFF  }
0x168: {  	[sflag:s0] =	ssyncadd.tile.s32 @!p0 $0x1;
	_ =	shalt  }
.Lfunc_end2:
_tile_overlayer_lowered:
.L_overlay_start_2:
0x169: {  	(tag) =	ssettag $0x2  }
0x16a: {  	s0 =	rddreg [dreg:$0x0];
	s2 =	stileid.u32  }
0x16b: {  	s1 =	rddreg [dreg:$0x1];
	p0 =	sne.s32 s2, $0x0  }
0x16c: {  	s3 =	rddreg [dreg:$0x2];
	[bflag:$0x3] =	sbarrier.arrive $0xFFFF;
	s2 =	simm.s32 @!p0 $0x1C03  }
0x16d: {  	[timem:s3], [sflag:s2] =	dma.local @!p0 [hbm:s0], s1  }
0x16e: {  	s0 =	simm.s32 @!p0 $0x3  }
0x16f: {  	_ =	swait.ge @!p0 [sflag:s0], s1  }
0x170: {  	s1 =	ssub.s32 @!p0 $0x0, s1;
	[sflag:s0] =	ssyncset.done @!p0 $0x0  }
0x171: {  	[sflag:s0] =	ssyncadd.s32 @!p0 s1  }
0x172: {  	[bflag:$0x3] =	sbarrier.arrive $0xFFFF  }
0x173: {  	_ =	shalt  }

</sc_bundles>
